<compile_context>
chip_gen: v7x
topology: tpu7x:2x2x1
jax: 0.10.2.dev20260603
libtpu: 0.0.44.dev20260713+nightly
codegen_flags: <defaults>
</compile_context>

<pallas_src>
import functools

import jax
import jax.numpy as jnp
from jax import lax
from jax.experimental import pallas as pl
from jax.experimental.pallas import tpu as pltpu
from jax.experimental.pallas import tpu_sc as plsc

NC = 2
NS = 16
NW = NC * NS
K = 128


def _zero_rows(ref, nrows, ncols):
    z = jnp.zeros((16,), jnp.float32)

    def body(i, c):
        for k4 in range(ncols // 16):
            ref[i, pl.ds(16 * k4, 16)] = z
        return c

    lax.fori_loop(0, nrows, body, 0, unroll=4)


def _fill_ones(ref, nrows):
    o = jnp.ones((16,), jnp.float32)

    def body(i, c):
        ref[i, :] = o
        return c

    lax.fori_loop(0, nrows, body, 0, unroll=4)


def _zero_acc_slice(zsrc, acc, base, rpt):
    n_full = rpt // K
    rem = rpt - n_full * K

    def body(i, c):
        pltpu.sync_copy(zsrc, acc.at[pl.ds(base + i * K, K)])
        return c

    lax.fori_loop(0, n_full, body, 0)
    if rem:
        pltpu.sync_copy(zsrc.at[pl.ds(0, rem)],
                        acc.at[pl.ds(base + n_full * K, rem)])


def _make_deg_kernel(n_acc, cpw):
    rpt = n_acc // NS

    @functools.partial(
        pl.kernel,
        out_type=jax.ShapeDtypeStruct((NC, n_acc, 16), jnp.float32),
        mesh=plsc.VectorSubcoreMesh(core_axis_name="c", subcore_axis_name="s"),
        scratch_types=[
            pltpu.VMEM((cpw, K), jnp.int32),
            pltpu.VMEM((K, 16), jnp.float32),
            pltpu.VMEM((K, 16), jnp.float32),
            pltpu.VMEM_SHARED((n_acc, 16), jnp.float32),
        ],
        compiler_params=pltpu.CompilerParams(use_tc_tiling_on_sc=False),
    )
    def deg_kernel(dst_hbm, out_hbm, didx, ones_b, zero_b, acc):
        c = lax.axis_index("c")
        s = lax.axis_index("s")
        wid = s * NC + c
        base = s * rpt
        _fill_ones(ones_b, K)
        _zero_rows(zero_b, K, 16)
        _zero_acc_slice(zero_b, acc, base, rpt)
        pltpu.sync_copy(dst_hbm.at[pl.ds(wid * cpw, cpw)], didx)
        plsc.subcore_barrier()

        def step(j, carry):
            pltpu.sync_copy(ones_b, acc.at[didx.at[j]], add=True)
            return carry

        lax.fori_loop(0, cpw, step, 0)
        plsc.subcore_barrier()
        pltpu.sync_copy(acc.at[pl.ds(base, rpt)],
                        out_hbm.at[c, pl.ds(base, rpt)])

    return deg_kernel


def _make_agg_kernel(n, n_acc, d, cpw):
    rpt = n_acc // NS

    @functools.partial(
        pl.kernel,
        out_type=jax.ShapeDtypeStruct((NC, n_acc, d), jnp.float32),
        mesh=plsc.VectorSubcoreMesh(core_axis_name="c", subcore_axis_name="s"),
        scratch_types=[
            pltpu.VMEM((cpw, K), jnp.int32),
            pltpu.VMEM((cpw, K), jnp.int32),
            pltpu.VMEM((K, d), jnp.float32),
            pltpu.VMEM((K, d), jnp.float32),
            pltpu.VMEM_SHARED((n_acc, d), jnp.float32),
            pltpu.SemaphoreType.DMA,
            pltpu.SemaphoreType.DMA,
        ],
        compiler_params=pltpu.CompilerParams(use_tc_tiling_on_sc=False),
    )
    def agg_kernel(h_hbm, src_hbm, dst_hbm, out_hbm,
                   sidx, didx, rows0, rows1, acc, sem0, sem1):
        c = lax.axis_index("c")
        s = lax.axis_index("s")
        wid = s * NC + c
        base = s * rpt
        _zero_rows(rows0, K, d)
        _zero_acc_slice(rows0, acc, base, rpt)
        pltpu.sync_copy(src_hbm.at[pl.ds(wid * cpw, cpw)], sidx)
        pltpu.sync_copy(dst_hbm.at[pl.ds(wid * cpw, cpw)], didx)
        plsc.subcore_barrier()

        pltpu.async_copy(h_hbm.at[sidx.at[0]], rows0, sem0)

        def step(i, carry):
            j = 2 * i
            pltpu.async_copy(h_hbm.at[sidx.at[j + 1]], rows1, sem1)
            pltpu.make_async_copy(h_hbm.at[sidx.at[j]], rows0, sem0).wait()
            pltpu.sync_copy(rows0, acc.at[didx.at[j]], add=True)

            @pl.when(j + 2 < cpw)
            def _():
                pltpu.async_copy(h_hbm.at[sidx.at[j + 2]], rows0, sem0)

            pltpu.make_async_copy(h_hbm.at[sidx.at[j + 1]], rows1,
                                  sem1).wait()
            pltpu.sync_copy(rows1, acc.at[didx.at[j + 1]], add=True)
            return carry

        assert cpw % 2 == 0
        lax.fori_loop(0, cpw // 2, step, 0)
        plsc.subcore_barrier()
        pltpu.sync_copy(acc.at[pl.ds(base, rpt)],
                        out_hbm.at[c, pl.ds(base, rpt)])

    return agg_kernel


def _matmul_call(x, w, bm):
    n, din = x.shape
    dout = w.shape[1]

    def body(x_ref, w_ref, o_ref):
        o_ref[...] = jnp.dot(x_ref[...], w_ref[...],
                             preferred_element_type=jnp.float32)

    return pl.pallas_call(
        body,
        grid=(n // bm,),
        in_specs=[pl.BlockSpec((bm, din), lambda i: (i, 0)),
                  pl.BlockSpec((din, dout), lambda i: (0, 0))],
        out_specs=pl.BlockSpec((bm, dout), lambda i: (i, 0)),
        out_shape=jax.ShapeDtypeStruct((n, dout), jnp.float32),
    )(x, w)


def _scale1_call(h1, d0, d1, bm):
    n, d = h1.shape

    def body(h_ref, d0_ref, d1_ref, hs_ref, dis_ref):
        deg = d0_ref[...][:, 0:1] + d1_ref[...][:, 0:1] + 1.0
        dis = lax.rsqrt(deg)
        dis_ref[...] = dis
        hs_ref[...] = h_ref[...] * dis

    return pl.pallas_call(
        body,
        grid=(n // bm,),
        in_specs=[pl.BlockSpec((bm, d), lambda i: (i, 0)),
                  pl.BlockSpec((bm, 16), lambda i: (i, 0)),
                  pl.BlockSpec((bm, 16), lambda i: (i, 0))],
        out_specs=[pl.BlockSpec((bm, d), lambda i: (i, 0)),
                   pl.BlockSpec((bm, 1), lambda i: (i, 0))],
        out_shape=[jax.ShapeDtypeStruct((n, d), jnp.float32),
                   jax.ShapeDtypeStruct((n, 1), jnp.float32)],
    )(h1, d0, d1)


def _mid_call(p0, p1, h1s, dis, b1, bm):
    n, d = h1s.shape

    def body(p0_ref, p1_ref, h_ref, dis_ref, b_ref, g_ref):
        t = (p0_ref[...] + p1_ref[...] + h_ref[...]) * dis_ref[...] + b_ref[...]
        g_ref[...] = jnp.maximum(t, 0.0) * dis_ref[...]

    return pl.pallas_call(
        body,
        grid=(n // bm,),
        in_specs=[pl.BlockSpec((bm, d), lambda i: (i, 0)),
                  pl.BlockSpec((bm, d), lambda i: (i, 0)),
                  pl.BlockSpec((bm, d), lambda i: (i, 0)),
                  pl.BlockSpec((bm, 1), lambda i: (i, 0)),
                  pl.BlockSpec((1, d), lambda i: (0, 0))],
        out_specs=pl.BlockSpec((bm, d), lambda i: (i, 0)),
        out_shape=jax.ShapeDtypeStruct((n, d), jnp.float32),
    )(p0, p1, h1s, dis, b1)


def _out_call(q0, q1, g, dis, w2, b2, bm):
    n, d = g.shape
    dout = w2.shape[1]

    def body(q0_ref, q1_ref, g_ref, dis_ref, w_ref, b_ref, o_ref):
        u = (q0_ref[...] + q1_ref[...] + g_ref[...]) * dis_ref[...]
        o_ref[...] = jnp.dot(u, w_ref[...],
                             preferred_element_type=jnp.float32) + b_ref[...]

    return pl.pallas_call(
        body,
        grid=(n // bm,),
        in_specs=[pl.BlockSpec((bm, d), lambda i: (i, 0)),
                  pl.BlockSpec((bm, d), lambda i: (i, 0)),
                  pl.BlockSpec((bm, d), lambda i: (i, 0)),
                  pl.BlockSpec((bm, 1), lambda i: (i, 0)),
                  pl.BlockSpec((d, dout), lambda i: (0, 0)),
                  pl.BlockSpec((1, dout), lambda i: (0, 0))],
        out_specs=pl.BlockSpec((bm, dout), lambda i: (i, 0)),
        out_shape=jax.ShapeDtypeStruct((n, dout), jnp.float32),
    )(q0, q1, g, dis, w2, b2)


def kernel(x, edge_index, W1, b1, W2, b2):
    n, d_in = x.shape
    d_hid = W1.shape[1]
    d_out = W2.shape[1]
    e = edge_index.shape[1]
    n_acc = -(-(n + 1) // (NS * 8)) * (NS * 8)
    trash = n_acc - n
    cpw = -(-e // (NW * K * 8)) * 8
    e_pad = NW * cpw * K
    pad = e_pad - e

    src = edge_index[0]
    dst = edge_index[1]
    ar = jnp.arange(pad, dtype=jnp.int32)
    t2 = 1 << (trash.bit_length() - 1)
    src_p = jnp.concatenate([src, ar if pad <= n else ar % n]
                            ).reshape(NW * cpw, K)
    dst_p = jnp.concatenate([dst, n + (ar & (t2 - 1))]).reshape(NW * cpw, K)

    bm = 2000 if n % 2000 == 0 else n

    degp = _make_deg_kernel(n_acc, cpw)(dst_p)
    h1 = _matmul_call(x, W1, bm)
    h1s, dis = _scale1_call(h1, degp[0, :n], degp[1, :n], bm)

    agg = _make_agg_kernel(n, n_acc, d_hid, cpw)
    p = agg(h1s, src_p, dst_p)
    g = _mid_call(p[0, :n], p[1, :n], h1s, dis, b1.reshape(1, d_hid), bm)
    q = agg(g, src_p, dst_p)
    return _out_call(q[0, :n], q[1, :n], g, dis, W2, b2.reshape(1, d_out), bm)

# --- scband reference (transcript-rebuilt; emitter-appended) ---
"""Pipeline reference for scband-gnnmodel-3264175145417 (READ-ONLY COPY).

The authoritative reference and input builder live on the scoring server;
editing this copy changes nothing except your own understanding.
"""

import jax, jax.numpy as jnp
import numpy as np


def _gcn_conv(x, edge_index, W, b):
    # Faithful GCNConv: add self-loops, symmetric D^-1/2 (A+I) D^-1/2 normalization,
    # linear transform, scatter-add aggregation to dst, plus bias.
    N = x.shape[0]
    loop = jnp.arange(N, dtype=edge_index.dtype)
    src = jnp.concatenate([edge_index[0], loop])
    dst = jnp.concatenate([edge_index[1], loop])
    deg = jnp.zeros((N,), dtype=x.dtype).at[dst].add(jnp.ones_like(src, dtype=x.dtype))
    deg_inv_sqrt = jnp.where(deg > 0, deg ** -0.5, 0.0)
    norm = deg_inv_sqrt[src] * deg_inv_sqrt[dst]
    h = x @ W
    msg = h[src] * norm[:, None]
    out = jnp.zeros((N, W.shape[1]), dtype=x.dtype).at[dst].add(msg)
    return out + b


def setup_inputs(seed: int = 0) -> dict:
    key = jax.random.key(seed)
    k1, k2, k3, k4, k5, k6 = jax.random.split(key, 6)
    N = 10000
    E = 320000
    d_in = 128
    d_hid = 64
    d_out = 128
    x = jax.random.normal(k1, (N, d_in), dtype=jnp.float32)
    edge_index = jax.random.randint(k2, (2, E), 0, N, dtype=jnp.int32)
    W1 = jax.random.normal(k3, (d_in, d_hid), dtype=jnp.float32) * (1.0 / np.sqrt(d_in))
    b1 = jnp.zeros((d_hid,), dtype=jnp.float32)
    W2 = jax.random.normal(k4, (d_hid, d_out), dtype=jnp.float32) * (1.0 / np.sqrt(d_hid))
    b2 = jnp.zeros((d_out,), dtype=jnp.float32)
    return {"x": x, "edge_index": edge_index, "W1": W1, "b1": b1, "W2": W2, "b2": b2}


def reference(x, edge_index, W1, b1, W2, b2):
    h = _gcn_conv(x, edge_index, W1, b1)
    h = jnp.maximum(h, 0.0)
    out = _gcn_conv(h, edge_index, W2, b2)
    return out

if __name__ == "__main__":
    import jax
    _d = setup_inputs()
    print(jax.jit(kernel)(*tuple(_d.values())))

</pallas_src>

<mosaic_0001>
#map = affine_map<(d0, d1) -> (0, 0)>
#map1 = affine_map<(d0, d1) -> (0, 0, 0)>
module attributes {stable_mosaic.version = 14 : i64} {
  func.func @agg_kernel(%arg0: i32, %arg1: i32, %arg2: memref<10000x64xf32, #tpu.memory_space<hbm>>, %arg3: memref<2560x128xi32, #tpu.memory_space<hbm>>, %arg4: memref<2560x128xi32, #tpu.memory_space<hbm>>, %arg5: memref<2x10112x64xf32, #tpu.memory_space<hbm>>, %arg6: memref<80x128xi32, #tpu.memory_space<vmem>>, %arg7: memref<80x128xi32, #tpu.memory_space<vmem>>, %arg8: memref<128x64xf32, #tpu.memory_space<vmem>>, %arg9: memref<128x64xf32, #tpu.memory_space<vmem>>, %arg10: memref<10112x64xf32, #tpu.memory_space<vmem_shared>>, %arg11: memref<!tpu.dma_semaphore, #tpu.memory_space<semaphore_mem>>, %arg12: memref<!tpu.dma_semaphore, #tpu.memory_space<semaphore_mem>>) attributes {dimension_semantics = [#tpu.dimension_semantics<core_parallel>, #tpu.dimension_semantics<subcore_parallel>], iteration_bounds = array<i64: 2, 16>, scalar_prefetch = 0 : i64, scratch_operands = 7 : i64, tpu.core_type = #tpu.core_type<sc_vector_subcore>, window_params = [{transform_indices = #map}, {transform_indices = #map}, {transform_indices = #map}, {transform_indices = #map1}]} {
    %mul3A = arith.constant 2 : i32
    %mul3A_0 = arith.muli %arg1, %mul3A : i32
    %add3A = arith.addi %mul3A_0, %arg0 : i32
    %mul3A_1 = arith.constant 632 : i32
    %mul3A_2 = arith.muli %arg1, %mul3A_1 : i32
    %broadcast_in_dim3A = arith.constant 0.000000e+00 : f32
    %broadcast_in_dim3A_3 = vector.broadcast %broadcast_in_dim3A : f32 to vector<16xf32>
    %scan3A = arith.constant 0 : i32
    %scan3A_4 = arith.constant 0 : i32
    %scan3A_5 = arith.constant 128 : i32
    %scan3A_6 = arith.addi %scan3A_4, %scan3A_5 : i32
    %scan3A_7 = arith.constant 4 : i32
    scf.for %scan3A_34 = %scan3A_4 to %scan3A_6 step %scan3A_7  : i32 {
      %swap3A = arith.index_cast %scan3A_34 : i32 to index
      %swap3A_35 = arith.constant 0 : index
      %swap3A_36 = tpu.vector_load %arg8[%swap3A, %swap3A_35] {strides = array<i32>} : memref<128x64xf32, #tpu.memory_space<vmem>>, vector<1x16xf32>,
      %swap3A_37 = vector.shape_cast %swap3A_36 : vector<1x16xf32> to vector<16xf32>
      %swap3A_38 = vector.shape_cast %broadcast_in_dim3A_3 : vector<16xf32> to vector<1x16xf32>
      tpu.vector_store %arg8[%swap3A, %swap3A_35], %swap3A_38 {strides = array<i32>} : memref<128x64xf32, #tpu.memory_space<vmem>>, vector<1x16xf32>,
      %swap3A_39 = arith.index_cast %scan3A_34 : i32 to index
      %swap3A_40 = arith.constant 16 : index
      %swap3A_41 = tpu.vector_load %arg8[%swap3A_39, %swap3A_40] {strides = array<i32>} : memref<128x64xf32, #tpu.memory_space<vmem>>, vector<1x16xf32>,
      %swap3A_42 = vector.shape_cast %swap3A_41 : vector<1x16xf32> to vector<16xf32>
      %swap3A_43 = vector.shape_cast %broadcast_in_dim3A_3 : vector<16xf32> to vector<1x16xf32>
      tpu.vector_store %arg8[%swap3A_39, %swap3A_40], %swap3A_43 {strides = array<i32>} : memref<128x64xf32, #tpu.memory_space<vmem>>, vector<1x16xf32>,
      %swap3A_44 = arith.index_cast %scan3A_34 : i32 to index
      %swap3A_45 = arith.constant 32 : index
      %swap3A_46 = tpu.vector_load %arg8[%swap3A_44, %swap3A_45] {strides = array<i32>} : memref<128x64xf32, #tpu.memory_space<vmem>>, vector<1x16xf32>,
      %swap3A_47 = vector.shape_cast %swap3A_46 : vector<1x16xf32> to vector<16xf32>
      %swap3A_48 = vector.shape_cast %broadcast_in_dim3A_3 : vector<16xf32> to vector<1x16xf32>
      tpu.vector_store %arg8[%swap3A_44, %swap3A_45], %swap3A_48 {strides = array<i32>} : memref<128x64xf32, #tpu.memory_space<vmem>>, vector<1x16xf32>,
      %swap3A_49 = arith.index_cast %scan3A_34 : i32 to index
      %swap3A_50 = arith.constant 48 : index
      %swap3A_51 = tpu.vector_load %arg8[%swap3A_49, %swap3A_50] {strides = array<i32>} : memref<128x64xf32, #tpu.memory_space<vmem>>, vector<1x16xf32>,
      %swap3A_52 = vector.shape_cast %swap3A_51 : vector<1x16xf32> to vector<16xf32>
      %swap3A_53 = vector.shape_cast %broadcast_in_dim3A_3 : vector<16xf32> to vector<1x16xf32>
      tpu.vector_store %arg8[%swap3A_49, %swap3A_50], %swap3A_53 {strides = array<i32>} : memref<128x64xf32, #tpu.memory_space<vmem>>, vector<1x16xf32>,
      %scan3A_54 = arith.constant 1 : i32
      %scan3A_55 = arith.addi %scan3A_34, %scan3A_54 : i32
      %swap3A_56 = arith.index_cast %scan3A_55 : i32 to index
      %swap3A_57 = arith.constant 0 : index
      %swap3A_58 = tpu.vector_load %arg8[%swap3A_56, %swap3A_57] {strides = array<i32>} : memref<128x64xf32, #tpu.memory_space<vmem>>, vector<1x16xf32>,
      %swap3A_59 = vector.shape_cast %swap3A_58 : vector<1x16xf32> to vector<16xf32>
      %swap3A_60 = vector.shape_cast %broadcast_in_dim3A_3 : vector<16xf32> to vector<1x16xf32>
      tpu.vector_store %arg8[%swap3A_56, %swap3A_57], %swap3A_60 {strides = array<i32>} : memref<128x64xf32, #tpu.memory_space<vmem>>, vector<1x16xf32>,
      %swap3A_61 = arith.index_cast %scan3A_55 : i32 to index
      %swap3A_62 = arith.constant 16 : index
      %swap3A_63 = tpu.vector_load %arg8[%swap3A_61, %swap3A_62] {strides = array<i32>} : memref<128x64xf32, #tpu.memory_space<vmem>>, vector<1x16xf32>,
      %swap3A_64 = vector.shape_cast %swap3A_63 : vector<1x16xf32> to vector<16xf32>
      %swap3A_65 = vector.shape_cast %broadcast_in_dim3A_3 : vector<16xf32> to vector<1x16xf32>
      tpu.vector_store %arg8[%swap3A_61, %swap3A_62], %swap3A_65 {strides = array<i32>} : memref<128x64xf32, #tpu.memory_space<vmem>>, vector<1x16xf32>,
      %swap3A_66 = arith.index_cast %scan3A_55 : i32 to index
      %swap3A_67 = arith.constant 32 : index
      %swap3A_68 = tpu.vector_load %arg8[%swap3A_66, %swap3A_67] {strides = array<i32>} : memref<128x64xf32, #tpu.memory_space<vmem>>, vector<1x16xf32>,
      %swap3A_69 = vector.shape_cast %swap3A_68 : vector<1x16xf32> to vector<16xf32>
      %swap3A_70 = vector.shape_cast %broadcast_in_dim3A_3 : vector<16xf32> to vector<1x16xf32>
      tpu.vector_store %arg8[%swap3A_66, %swap3A_67], %swap3A_70 {strides = array<i32>} : memref<128x64xf32, #tpu.memory_space<vmem>>, vector<1x16xf32>,
      %swap3A_71 = arith.index_cast %scan3A_55 : i32 to index
      %swap3A_72 = arith.constant 48 : index
      %swap3A_73 = tpu.vector_load %arg8[%swap3A_71, %swap3A_72] {strides = array<i32>} : memref<128x64xf32, #tpu.memory_space<vmem>>, vector<1x16xf32>,
      %swap3A_74 = vector.shape_cast %swap3A_73 : vector<1x16xf32> to vector<16xf32>
      %swap3A_75 = vector.shape_cast %broadcast_in_dim3A_3 : vector<16xf32> to vector<1x16xf32>
      tpu.vector_store %arg8[%swap3A_71, %swap3A_72], %swap3A_75 {strides = array<i32>} : memref<128x64xf32, #tpu.memory_space<vmem>>, vector<1x16xf32>,
      %scan3A_76 = arith.constant 2 : i32
      %scan3A_77 = arith.addi %scan3A_34, %scan3A_76 : i32
      %swap3A_78 = arith.index_cast %scan3A_77 : i32 to index
      %swap3A_79 = arith.constant 0 : index
      %swap3A_80 = tpu.vector_load %arg8[%swap3A_78, %swap3A_79] {strides = array<i32>} : memref<128x64xf32, #tpu.memory_space<vmem>>, vector<1x16xf32>,
      %swap3A_81 = vector.shape_cast %swap3A_80 : vector<1x16xf32> to vector<16xf32>
      %swap3A_82 = vector.shape_cast %broadcast_in_dim3A_3 : vector<16xf32> to vector<1x16xf32>
      tpu.vector_store %arg8[%swap3A_78, %swap3A_79], %swap3A_82 {strides = array<i32>} : memref<128x64xf32, #tpu.memory_space<vmem>>, vector<1x16xf32>,
      %swap3A_83 = arith.index_cast %scan3A_77 : i32 to index
      %swap3A_84 = arith.constant 16 : index
      %swap3A_85 = tpu.vector_load %arg8[%swap3A_83, %swap3A_84] {strides = array<i32>} : memref<128x64xf32, #tpu.memory_space<vmem>>, vector<1x16xf32>,
      %swap3A_86 = vector.shape_cast %swap3A_85 : vector<1x16xf32> to vector<16xf32>
      %swap3A_87 = vector.shape_cast %broadcast_in_dim3A_3 : vector<16xf32> to vector<1x16xf32>
      tpu.vector_store %arg8[%swap3A_83, %swap3A_84], %swap3A_87 {strides = array<i32>} : memref<128x64xf32, #tpu.memory_space<vmem>>, vector<1x16xf32>,
      %swap3A_88 = arith.index_cast %scan3A_77 : i32 to index
      %swap3A_89 = arith.constant 32 : index
      %swap3A_90 = tpu.vector_load %arg8[%swap3A_88, %swap3A_89] {strides = array<i32>} : memref<128x64xf32, #tpu.memory_space<vmem>>, vector<1x16xf32>,
      %swap3A_91 = vector.shape_cast %swap3A_90 : vector<1x16xf32> to vector<16xf32>
      %swap3A_92 = vector.shape_cast %broadcast_in_dim3A_3 : vector<16xf32> to vector<1x16xf32>
      tpu.vector_store %arg8[%swap3A_88, %swap3A_89], %swap3A_92 {strides = array<i32>} : memref<128x64xf32, #tpu.memory_space<vmem>>, vector<1x16xf32>,
      %swap3A_93 = arith.index_cast %scan3A_77 : i32 to index
      %swap3A_94 = arith.constant 48 : index
      %swap3A_95 = tpu.vector_load %arg8[%swap3A_93, %swap3A_94] {strides = array<i32>} : memref<128x64xf32, #tpu.memory_space<vmem>>, vector<1x16xf32>,
      %swap3A_96 = vector.shape_cast %swap3A_95 : vector<1x16xf32> to vector<16xf32>
      %swap3A_97 = vector.shape_cast %broadcast_in_dim3A_3 : vector<16xf32> to vector<1x16xf32>
      tpu.vector_store %arg8[%swap3A_93, %swap3A_94], %swap3A_97 {strides = array<i32>} : memref<128x64xf32, #tpu.memory_space<vmem>>, vector<1x16xf32>,
      %scan3A_98 = arith.constant 3 : i32
      %scan3A_99 = arith.addi %scan3A_34, %scan3A_98 : i32
      %swap3A_100 = arith.index_cast %scan3A_99 : i32 to index
      %swap3A_101 = arith.constant 0 : index
      %swap3A_102 = tpu.vector_load %arg8[%swap3A_100, %swap3A_101] {strides = array<i32>} : memref<128x64xf32, #tpu.memory_space<vmem>>, vector<1x16xf32>,
      %swap3A_103 = vector.shape_cast %swap3A_102 : vector<1x16xf32> to vector<16xf32>
      %swap3A_104 = vector.shape_cast %broadcast_in_dim3A_3 : vector<16xf32> to vector<1x16xf32>
      tpu.vector_store %arg8[%swap3A_100, %swap3A_101], %swap3A_104 {strides = array<i32>} : memref<128x64xf32, #tpu.memory_space<vmem>>, vector<1x16xf32>,
      %swap3A_105 = arith.index_cast %scan3A_99 : i32 to index
      %swap3A_106 = arith.constant 16 : index
      %swap3A_107 = tpu.vector_load %arg8[%swap3A_105, %swap3A_106] {strides = array<i32>} : memref<128x64xf32, #tpu.memory_space<vmem>>, vector<1x16xf32>,
      %swap3A_108 = vector.shape_cast %swap3A_107 : vector<1x16xf32> to vector<16xf32>
      %swap3A_109 = vector.shape_cast %broadcast_in_dim3A_3 : vector<16xf32> to vector<1x16xf32>
      tpu.vector_store %arg8[%swap3A_105, %swap3A_106], %swap3A_109 {strides = array<i32>} : memref<128x64xf32, #tpu.memory_space<vmem>>, vector<1x16xf32>,
      %swap3A_110 = arith.index_cast %scan3A_99 : i32 to index
      %swap3A_111 = arith.constant 32 : index
      %swap3A_112 = tpu.vector_load %arg8[%swap3A_110, %swap3A_111] {strides = array<i32>} : memref<128x64xf32, #tpu.memory_space<vmem>>, vector<1x16xf32>,
      %swap3A_113 = vector.shape_cast %swap3A_112 : vector<1x16xf32> to vector<16xf32>
      %swap3A_114 = vector.shape_cast %broadcast_in_dim3A_3 : vector<16xf32> to vector<1x16xf32>
      tpu.vector_store %arg8[%swap3A_110, %swap3A_111], %swap3A_114 {strides = array<i32>} : memref<128x64xf32, #tpu.memory_space<vmem>>, vector<1x16xf32>,
      %swap3A_115 = arith.index_cast %scan3A_99 : i32 to index
      %swap3A_116 = arith.constant 48 : index
      %swap3A_117 = tpu.vector_load %arg8[%swap3A_115, %swap3A_116] {strides = array<i32>} : memref<128x64xf32, #tpu.memory_space<vmem>>, vector<1x16xf32>,
      %swap3A_118 = vector.shape_cast %swap3A_117 : vector<1x16xf32> to vector<16xf32>
      %swap3A_119 = vector.shape_cast %broadcast_in_dim3A_3 : vector<16xf32> to vector<1x16xf32>
      tpu.vector_store %arg8[%swap3A_115, %swap3A_116], %swap3A_119 {strides = array<i32>} : memref<128x64xf32, #tpu.memory_space<vmem>>, vector<1x16xf32>,
    }
    %scan3A_8 = arith.constant 128 : i32
    %scan3A_9 = arith.constant 0 : i32
    %scan3A_10 = arith.constant 0 : i32
    %scan3A_11 = arith.constant 4 : i32
    %scan3A_12 = arith.addi %scan3A_10, %scan3A_11 : i32
    %scan3A_13 = arith.constant 1 : i32
    scf.for %scan3A_34 = %scan3A_10 to %scan3A_12 step %scan3A_13  : i32 {
      %mul3A_35 = arith.constant 128 : i32
      %mul3A_36 = arith.muli %scan3A_34, %mul3A_35 : i32
      %add3A_37 = arith.addi %mul3A_2, %mul3A_36 : i32
      "tpu.region"() ({
        %run_scoped3A = tpu.sem_alloc : memref<!tpu.dma_semaphore, #tpu.memory_space<semaphore_mem>>
        %dma_start3A_38 = arith.constant 0 : i32
        %dma_start3A_39 = tpu.memref_slice %arg10[%add3A_37, %dma_start3A_38] : memref<10112x64xf32, #tpu.memory_space<vmem_shared>> -> memref<128x64xf32, #tpu.memory_space<vmem_shared>>
        %dma_start3A_40 = arith.constant 0 : i32
        %dma_start3A_41 = tpu.memref_slice %arg10[%add3A_37, %dma_start3A_40] : memref<10112x64xf32, #tpu.memory_space<vmem_shared>> -> memref<128x64xf32, #tpu.memory_space<vmem_shared>>
        tpu.enqueue_dma source(%arg8 : memref<128x64xf32, #tpu.memory_space<vmem>>) target(%dma_start3A_41 : memref<128x64xf32, #tpu.memory_space<vmem_shared>>) target_semaphore(%run_scoped3A : memref<!tpu.dma_semaphore, #tpu.memory_space<semaphore_mem>>)
        %dma_wait3A = arith.constant 0 : i32
        %dma_wait3A_42 = tpu.memref_slice %arg10[%add3A_37, %dma_wait3A] : memref<10112x64xf32, #tpu.memory_space<vmem_shared>> -> memref<128x64xf32, #tpu.memory_space<vmem_shared>>
        %dma_wait3A_43 = arith.constant 0 : i32
        %dma_wait3A_44 = tpu.memref_slice %arg10[%add3A_37, %dma_wait3A_43] : memref<10112x64xf32, #tpu.memory_space<vmem_shared>> -> memref<128x64xf32, #tpu.memory_space<vmem_shared>>
        tpu.wait_dma2 semaphore(%run_scoped3A : memref<!tpu.dma_semaphore, #tpu.memory_space<semaphore_mem>>) src(%arg8 : memref<128x64xf32, #tpu.memory_space<vmem>>) dst(%dma_wait3A_44 : memref<128x64xf32, #tpu.memory_space<vmem_shared>>)
        tpu.yield
      }) : () -> ()
    }
    %scan3A_14 = arith.constant 4 : i32
    %add3A_15 = arith.constant 512 : i32
    %add3A_16 = arith.addi %mul3A_2, %add3A_15 : i32
    "tpu.region"() ({
      %run_scoped3A = tpu.sem_alloc : memref<!tpu.dma_semaphore, #tpu.memory_space<semaphore_mem>>
      %dma_start3A_34 = arith.constant 0 : i32
      %dma_start3A_35 = arith.constant 0 : i32
      %dma_start3A_36 = tpu.memref_slice %arg8[%dma_start3A_34, %dma_start3A_35] : memref<128x64xf32, #tpu.memory_space<vmem>> -> memref<120x64xf32, #tpu.memory_space<vmem>>
      %dma_start3A_37 = arith.constant 0 : i32
      %dma_start3A_38 = tpu.memref_slice %arg10[%add3A_16, %dma_start3A_37] : memref<10112x64xf32, #tpu.memory_space<vmem_shared>> -> memref<120x64xf32, #tpu.memory_space<vmem_shared>>
      %dma_start3A_39 = arith.constant 0 : i32
      %dma_start3A_40 = tpu.memref_slice %arg10[%add3A_16, %dma_start3A_39] : memref<10112x64xf32, #tpu.memory_space<vmem_shared>> -> memref<120x64xf32, #tpu.memory_space<vmem_shared>>
      %dma_start3A_41 = arith.constant 0 : i32
      %dma_start3A_42 = arith.constant 0 : i32
      %dma_start3A_43 = tpu.memref_slice %arg8[%dma_start3A_41, %dma_start3A_42] : memref<128x64xf32, #tpu.memory_space<vmem>> -> memref<120x64xf32, #tpu.memory_space<vmem>>
      tpu.enqueue_dma source(%dma_start3A_43 : memref<120x64xf32, #tpu.memory_space<vmem>>) target(%dma_start3A_40 : memref<120x64xf32, #tpu.memory_space<vmem_shared>>) target_semaphore(%run_scoped3A : memref<!tpu.dma_semaphore, #tpu.memory_space<semaphore_mem>>)
      %dma_wait3A = arith.constant 0 : i32
      %dma_wait3A_44 = arith.constant 0 : i32
      %dma_wait3A_45 = tpu.memref_slice %arg8[%dma_wait3A, %dma_wait3A_44] : memref<128x64xf32, #tpu.memory_space<vmem>> -> memref<120x64xf32, #tpu.memory_space<vmem>>
      %dma_wait3A_46 = arith.constant 0 : i32
      %dma_wait3A_47 = tpu.memref_slice %arg10[%add3A_16, %dma_wait3A_46] : memref<10112x64xf32, #tpu.memory_space<vmem_shared>> -> memref<120x64xf32, #tpu.memory_space<vmem_shared>>
      %dma_wait3A_48 = arith.constant 0 : i32
      %dma_wait3A_49 = tpu.memref_slice %arg10[%add3A_16, %dma_wait3A_48] : memref<10112x64xf32, #tpu.memory_space<vmem_shared>> -> memref<120x64xf32, #tpu.memory_space<vmem_shared>>
      %dma_wait3A_50 = arith.constant 0 : i32
      %dma_wait3A_51 = arith.constant 0 : i32
      %dma_wait3A_52 = tpu.memref_slice %arg8[%dma_wait3A_50, %dma_wait3A_51] : memref<128x64xf32, #tpu.memory_space<vmem>> -> memref<120x64xf32, #tpu.memory_space<vmem>>
      tpu.wait_dma2 semaphore(%run_scoped3A : memref<!tpu.dma_semaphore, #tpu.memory_space<semaphore_mem>>) src(%dma_wait3A_52 : memref<120x64xf32, #tpu.memory_space<vmem>>) dst(%dma_wait3A_49 : memref<120x64xf32, #tpu.memory_space<vmem_shared>>)
      tpu.yield
    }) : () -> ()
    %mul3A_17 = arith.constant 80 : i32
    %mul3A_18 = arith.muli %add3A, %mul3A_17 : i32
    "tpu.region"() ({
      %run_scoped3A = tpu.sem_alloc : memref<!tpu.dma_semaphore, #tpu.memory_space<semaphore_mem>>
      %dma_start3A_34 = arith.constant 0 : i32
      %dma_start3A_35 = tpu.memref_slice %arg3[%mul3A_18, %dma_start3A_34] : memref<2560x128xi32, #tpu.memory_space<hbm>> -> memref<80x128xi32, #tpu.memory_space<hbm>>
      %dma_start3A_36 = arith.constant 0 : i32
      %dma_start3A_37 = tpu.memref_slice %arg3[%mul3A_18, %dma_start3A_36] : memref<2560x128xi32, #tpu.memory_space<hbm>> -> memref<80x128xi32, #tpu.memory_space<hbm>>
      tpu.enqueue_dma source(%dma_start3A_37 : memref<80x128xi32, #tpu.memory_space<hbm>>) target(%arg6 : memref<80x128xi32, #tpu.memory_space<vmem>>) target_semaphore(%run_scoped3A : memref<!tpu.dma_semaphore, #tpu.memory_space<semaphore_mem>>)
      %dma_wait3A = arith.constant 0 : i32
      %dma_wait3A_38 = tpu.memref_slice %arg3[%mul3A_18, %dma_wait3A] : memref<2560x128xi32, #tpu.memory_space<hbm>> -> memref<80x128xi32, #tpu.memory_space<hbm>>
      %dma_wait3A_39 = arith.constant 0 : i32
      %dma_wait3A_40 = tpu.memref_slice %arg3[%mul3A_18, %dma_wait3A_39] : memref<2560x128xi32, #tpu.memory_space<hbm>> -> memref<80x128xi32, #tpu.memory_space<hbm>>
      tpu.wait_dma2 semaphore(%run_scoped3A : memref<!tpu.dma_semaphore, #tpu.memory_space<semaphore_mem>>) src(%dma_wait3A_40 : memref<80x128xi32, #tpu.memory_space<hbm>>) dst(%arg6 : memref<80x128xi32, #tpu.memory_space<vmem>>)
      tpu.yield
    }) : () -> ()
    %mul3A_19 = arith.constant 80 : i32
    %mul3A_20 = arith.muli %add3A, %mul3A_19 : i32
    "tpu.region"() ({
      %run_scoped3A = tpu.sem_alloc : memref<!tpu.dma_semaphore, #tpu.memory_space<semaphore_mem>>
      %dma_start3A_34 = arith.constant 0 : i32
      %dma_start3A_35 = tpu.memref_slice %arg4[%mul3A_20, %dma_start3A_34] : memref<2560x128xi32, #tpu.memory_space<hbm>> -> memref<80x128xi32, #tpu.memory_space<hbm>>
      %dma_start3A_36 = arith.constant 0 : i32
      %dma_start3A_37 = tpu.memref_slice %arg4[%mul3A_20, %dma_start3A_36] : memref<2560x128xi32, #tpu.memory_space<hbm>> -> memref<80x128xi32, #tpu.memory_space<hbm>>
      tpu.enqueue_dma source(%dma_start3A_37 : memref<80x128xi32, #tpu.memory_space<hbm>>) target(%arg7 : memref<80x128xi32, #tpu.memory_space<vmem>>) target_semaphore(%run_scoped3A : memref<!tpu.dma_semaphore, #tpu.memory_space<semaphore_mem>>)
      %dma_wait3A = arith.constant 0 : i32
      %dma_wait3A_38 = tpu.memref_slice %arg4[%mul3A_20, %dma_wait3A] : memref<2560x128xi32, #tpu.memory_space<hbm>> -> memref<80x128xi32, #tpu.memory_space<hbm>>
      %dma_wait3A_39 = arith.constant 0 : i32
      %dma_wait3A_40 = tpu.memref_slice %arg4[%mul3A_20, %dma_wait3A_39] : memref<2560x128xi32, #tpu.memory_space<hbm>> -> memref<80x128xi32, #tpu.memory_space<hbm>>
      tpu.wait_dma2 semaphore(%run_scoped3A : memref<!tpu.dma_semaphore, #tpu.memory_space<semaphore_mem>>) src(%dma_wait3A_40 : memref<80x128xi32, #tpu.memory_space<hbm>>) dst(%arg7 : memref<80x128xi32, #tpu.memory_space<vmem>>)
      tpu.yield
    }) : () -> ()
    %barrier3A = arith.constant 0 : index
    tpu.barrier barrier_id(%barrier3A)
    %dma_start3A = arith.constant 0 : i32
    %dma_start3A_21 = arith.constant 0 : i32
    %dma_start3A_22 = tpu.memref_slice %arg6[%dma_start3A, %dma_start3A_21] : memref<80x128xi32, #tpu.memory_space<vmem>> -> memref<1x128xi32, #tpu.memory_space<vmem>>
    %dma_start3A_23 = tpu.memref_squeeze %dma_start3A_22 : memref<1x128xi32, #tpu.memory_space<vmem>> -> memref<128xi32, #tpu.memory_space<vmem>>
    %dma_start3A_24 = arith.constant 0 : i32
    %dma_start3A_25 = arith.constant 0 : i32
    %dma_start3A_26 = tpu.memref_slice %arg2[%dma_start3A_24, %dma_start3A_25] : memref<10000x64xf32, #tpu.memory_space<hbm>> -> memref<10000x64xf32, #tpu.memory_space<hbm>>
    tpu.enqueue_indirect_dma source(%dma_start3A_26 : memref<10000x64xf32, #tpu.memory_space<hbm>>) target(%arg8 : memref<128x64xf32, #tpu.memory_space<vmem>>) offsets(%dma_start3A_23 : memref<128xi32, #tpu.memory_space<vmem>>) semaphore(%arg11 : memref<!tpu.dma_semaphore, #tpu.memory_space<semaphore_mem>>)
    %scan3A_27 = arith.constant 0 : i32
    %scan3A_28 = arith.constant 0 : i32
    %scan3A_29 = arith.constant 40 : i32
    %scan3A_30 = arith.addi %scan3A_28, %scan3A_29 : i32
    %scan3A_31 = arith.constant 1 : i32
    scf.for %scan3A_34 = %scan3A_28 to %scan3A_30 step %scan3A_31  : i32 {
      %mul3A_35 = arith.constant 2 : i32
      %mul3A_36 = arith.muli %mul3A_35, %scan3A_34 : i32
      %add3A_37 = arith.constant 1 : i32
      %add3A_38 = arith.addi %mul3A_36, %add3A_37 : i32
      %dma_start3A_39 = arith.constant 0 : i32
      %dma_start3A_40 = tpu.memref_slice %arg6[%add3A_38, %dma_start3A_39] : memref<80x128xi32, #tpu.memory_space<vmem>> -> memref<1x128xi32, #tpu.memory_space<vmem>>
      %dma_start3A_41 = tpu.memref_squeeze %dma_start3A_40 : memref<1x128xi32, #tpu.memory_space<vmem>> -> memref<128xi32, #tpu.memory_space<vmem>>
      %dma_start3A_42 = arith.constant 0 : i32
      %dma_start3A_43 = arith.constant 0 : i32
      %dma_start3A_44 = tpu.memref_slice %arg2[%dma_start3A_42, %dma_start3A_43] : memref<10000x64xf32, #tpu.memory_space<hbm>> -> memref<10000x64xf32, #tpu.memory_space<hbm>>
      tpu.enqueue_indirect_dma source(%dma_start3A_44 : memref<10000x64xf32, #tpu.memory_space<hbm>>) target(%arg9 : memref<128x64xf32, #tpu.memory_space<vmem>>) offsets(%dma_start3A_41 : memref<128xi32, #tpu.memory_space<vmem>>) semaphore(%arg12 : memref<!tpu.dma_semaphore, #tpu.memory_space<semaphore_mem>>)
      %dma_wait3A = arith.constant 0 : i32
      %dma_wait3A_45 = tpu.memref_slice %arg6[%mul3A_36, %dma_wait3A] : memref<80x128xi32, #tpu.memory_space<vmem>> -> memref<1x128xi32, #tpu.memory_space<vmem>>
      %dma_wait3A_46 = tpu.memref_squeeze %dma_wait3A_45 : memref<1x128xi32, #tpu.memory_space<vmem>> -> memref<128xi32, #tpu.memory_space<vmem>>
      %dma_wait3A_47 = arith.constant 0 : i32
      %dma_wait3A_48 = arith.constant 0 : i32
      %dma_wait3A_49 = tpu.memref_slice %arg2[%dma_wait3A_47, %dma_wait3A_48] : memref<10000x64xf32, #tpu.memory_space<hbm>> -> memref<10000x64xf32, #tpu.memory_space<hbm>>
      tpu.wait_indirect_dma semaphore(%arg11 : memref<!tpu.dma_semaphore, #tpu.memory_space<semaphore_mem>>) src(%dma_wait3A_49 : memref<10000x64xf32, #tpu.memory_space<hbm>>) dst(%arg8 : memref<128x64xf32, #tpu.memory_space<vmem>>)
      "tpu.region"() ({
        %run_scoped3A = tpu.sem_alloc : memref<!tpu.dma_semaphore, #tpu.memory_space<semaphore_mem>>
        %dma_start3A_64 = arith.constant 0 : i32
        %dma_start3A_65 = tpu.memref_slice %arg7[%mul3A_36, %dma_start3A_64] : memref<80x128xi32, #tpu.memory_space<vmem>> -> memref<1x128xi32, #tpu.memory_space<vmem>>
        %dma_start3A_66 = tpu.memref_squeeze %dma_start3A_65 : memref<1x128xi32, #tpu.memory_space<vmem>> -> memref<128xi32, #tpu.memory_space<vmem>>
        %dma_start3A_67 = arith.constant 0 : i32
        %dma_start3A_68 = arith.constant 0 : i32
        %dma_start3A_69 = tpu.memref_slice %arg10[%dma_start3A_67, %dma_start3A_68] : memref<10112x64xf32, #tpu.memory_space<vmem_shared>> -> memref<10112x64xf32, #tpu.memory_space<vmem_shared>>
        tpu.enqueue_indirect_dma source(%arg8 : memref<128x64xf32, #tpu.memory_space<vmem>>) target(%dma_start3A_69 : memref<10112x64xf32, #tpu.memory_space<vmem_shared>>) offsets(%dma_start3A_66 : memref<128xi32, #tpu.memory_space<vmem>>) semaphore(%run_scoped3A : memref<!tpu.dma_semaphore, #tpu.memory_space<semaphore_mem>>) {add = true}
        %dma_wait3A_70 = arith.constant 0 : i32
        %dma_wait3A_71 = tpu.memref_slice %arg7[%mul3A_36, %dma_wait3A_70] : memref<80x128xi32, #tpu.memory_space<vmem>> -> memref<1x128xi32, #tpu.memory_space<vmem>>
        %dma_wait3A_72 = tpu.memref_squeeze %dma_wait3A_71 : memref<1x128xi32, #tpu.memory_space<vmem>> -> memref<128xi32, #tpu.memory_space<vmem>>
        %dma_wait3A_73 = arith.constant 0 : i32
        %dma_wait3A_74 = arith.constant 0 : i32
        %dma_wait3A_75 = tpu.memref_slice %arg10[%dma_wait3A_73, %dma_wait3A_74] : memref<10112x64xf32, #tpu.memory_space<vmem_shared>> -> memref<10112x64xf32, #tpu.memory_space<vmem_shared>>
        tpu.wait_indirect_dma semaphore(%run_scoped3A : memref<!tpu.dma_semaphore, #tpu.memory_space<semaphore_mem>>) src(%arg8 : memref<128x64xf32, #tpu.memory_space<vmem>>) dst(%dma_wait3A_75 : memref<10112x64xf32, #tpu.memory_space<vmem_shared>>)
        tpu.yield
      }) : () -> ()
      %add3A_50 = arith.constant 2 : i32
      %add3A_51 = arith.addi %mul3A_36, %add3A_50 : i32
      %lt3A = arith.constant 80 : i32
      %lt3A_52 = arith.cmpi slt, %add3A_51, %lt3A : i32
      %convert_element_type3A = arith.extui %lt3A_52 : i1 to i32
      %cond3A = arith.constant 0 : i32
      %cond3A_53 = arith.cmpi ne, %convert_element_type3A, %cond3A : i32
      scf.if %cond3A_53 {
        %add3A_64 = arith.constant 2 : i32
        %add3A_65 = arith.addi %mul3A_36, %add3A_64 : i32
        %dma_start3A_66 = arith.constant 0 : i32
        %dma_start3A_67 = tpu.memref_slice %arg6[%add3A_65, %dma_start3A_66] : memref<80x128xi32, #tpu.memory_space<vmem>> -> memref<1x128xi32, #tpu.memory_space<vmem>>
        %dma_start3A_68 = tpu.memref_squeeze %dma_start3A_67 : memref<1x128xi32, #tpu.memory_space<vmem>> -> memref<128xi32, #tpu.memory_space<vmem>>
        %dma_start3A_69 = arith.constant 0 : i32
        %dma_start3A_70 = arith.constant 0 : i32
        %dma_start3A_71 = tpu.memref_slice %arg2[%dma_start3A_69, %dma_start3A_70] : memref<10000x64xf32, #tpu.memory_space<hbm>> -> memref<10000x64xf32, #tpu.memory_space<hbm>>
        tpu.enqueue_indirect_dma source(%dma_start3A_71 : memref<10000x64xf32, #tpu.memory_space<hbm>>) target(%arg8 : memref<128x64xf32, #tpu.memory_space<vmem>>) offsets(%dma_start3A_68 : memref<128xi32, #tpu.memory_space<vmem>>) semaphore(%arg11 : memref<!tpu.dma_semaphore, #tpu.memory_space<semaphore_mem>>)
      } else {
      }
      %add3A_54 = arith.constant 1 : i32
      %add3A_55 = arith.addi %mul3A_36, %add3A_54 : i32
      %dma_wait3A_56 = arith.constant 0 : i32
      %dma_wait3A_57 = tpu.memref_slice %arg6[%add3A_55, %dma_wait3A_56] : memref<80x128xi32, #tpu.memory_space<vmem>> -> memref<1x128xi32, #tpu.memory_space<vmem>>
      %dma_wait3A_58 = tpu.memref_squeeze %dma_wait3A_57 : memref<1x128xi32, #tpu.memory_space<vmem>> -> memref<128xi32, #tpu.memory_space<vmem>>
      %dma_wait3A_59 = arith.constant 0 : i32
      %dma_wait3A_60 = arith.constant 0 : i32
      %dma_wait3A_61 = tpu.memref_slice %arg2[%dma_wait3A_59, %dma_wait3A_60] : memref<10000x64xf32, #tpu.memory_space<hbm>> -> memref<10000x64xf32, #tpu.memory_space<hbm>>
      tpu.wait_indirect_dma semaphore(%arg12 : memref<!tpu.dma_semaphore, #tpu.memory_space<semaphore_mem>>) src(%dma_wait3A_61 : memref<10000x64xf32, #tpu.memory_space<hbm>>) dst(%arg9 : memref<128x64xf32, #tpu.memory_space<vmem>>)
      %add3A_62 = arith.constant 1 : i32
      %add3A_63 = arith.addi %mul3A_36, %add3A_62 : i32
      "tpu.region"() ({
        %run_scoped3A = tpu.sem_alloc : memref<!tpu.dma_semaphore, #tpu.memory_space<semaphore_mem>>
        %dma_start3A_64 = arith.constant 0 : i32
        %dma_start3A_65 = tpu.memref_slice %arg7[%add3A_63, %dma_start3A_64] : memref<80x128xi32, #tpu.memory_space<vmem>> -> memref<1x128xi32, #tpu.memory_space<vmem>>
        %dma_start3A_66 = tpu.memref_squeeze %dma_start3A_65 : memref<1x128xi32, #tpu.memory_space<vmem>> -> memref<128xi32, #tpu.memory_space<vmem>>
        %dma_start3A_67 = arith.constant 0 : i32
        %dma_start3A_68 = arith.constant 0 : i32
        %dma_start3A_69 = tpu.memref_slice %arg10[%dma_start3A_67, %dma_start3A_68] : memref<10112x64xf32, #tpu.memory_space<vmem_shared>> -> memref<10112x64xf32, #tpu.memory_space<vmem_shared>>
        tpu.enqueue_indirect_dma source(%arg9 : memref<128x64xf32, #tpu.memory_space<vmem>>) target(%dma_start3A_69 : memref<10112x64xf32, #tpu.memory_space<vmem_shared>>) offsets(%dma_start3A_66 : memref<128xi32, #tpu.memory_space<vmem>>) semaphore(%run_scoped3A : memref<!tpu.dma_semaphore, #tpu.memory_space<semaphore_mem>>) {add = true}
        %dma_wait3A_70 = arith.constant 0 : i32
        %dma_wait3A_71 = tpu.memref_slice %arg7[%add3A_63, %dma_wait3A_70] : memref<80x128xi32, #tpu.memory_space<vmem>> -> memref<1x128xi32, #tpu.memory_space<vmem>>
        %dma_wait3A_72 = tpu.memref_squeeze %dma_wait3A_71 : memref<1x128xi32, #tpu.memory_space<vmem>> -> memref<128xi32, #tpu.memory_space<vmem>>
        %dma_wait3A_73 = arith.constant 0 : i32
        %dma_wait3A_74 = arith.constant 0 : i32
        %dma_wait3A_75 = tpu.memref_slice %arg10[%dma_wait3A_73, %dma_wait3A_74] : memref<10112x64xf32, #tpu.memory_space<vmem_shared>> -> memref<10112x64xf32, #tpu.memory_space<vmem_shared>>
        tpu.wait_indirect_dma semaphore(%run_scoped3A : memref<!tpu.dma_semaphore, #tpu.memory_space<semaphore_mem>>) src(%arg9 : memref<128x64xf32, #tpu.memory_space<vmem>>) dst(%dma_wait3A_75 : memref<10112x64xf32, #tpu.memory_space<vmem_shared>>)
        tpu.yield
      }) : () -> ()
    }
    %scan3A_32 = arith.constant 40 : i32
    %barrier3A_33 = arith.constant 0 : index
    tpu.barrier barrier_id(%barrier3A_33)
    "tpu.region"() ({
      %run_scoped3A = tpu.sem_alloc : memref<!tpu.dma_semaphore, #tpu.memory_space<semaphore_mem>>
      %dma_start3A_34 = arith.constant 0 : i32
      %dma_start3A_35 = tpu.memref_slice %arg5[%arg0, %mul3A_2, %dma_start3A_34] : memref<2x10112x64xf32, #tpu.memory_space<hbm>> -> memref<1x632x64xf32, #tpu.memory_space<hbm>>
      %dma_start3A_36 = tpu.memref_squeeze %dma_start3A_35 : memref<1x632x64xf32, #tpu.memory_space<hbm>> -> memref<632x64xf32, #tpu.memory_space<hbm>>
      %dma_start3A_37 = arith.constant 0 : i32
      %dma_start3A_38 = tpu.memref_slice %arg10[%mul3A_2, %dma_start3A_37] : memref<10112x64xf32, #tpu.memory_space<vmem_shared>> -> memref<632x64xf32, #tpu.memory_space<vmem_shared>>
      tpu.enqueue_dma source(%dma_start3A_38 : memref<632x64xf32, #tpu.memory_space<vmem_shared>>) target(%dma_start3A_36 : memref<632x64xf32, #tpu.memory_space<hbm>>) target_semaphore(%run_scoped3A : memref<!tpu.dma_semaphore, #tpu.memory_space<semaphore_mem>>)
      %dma_wait3A = arith.constant 0 : i32
      %dma_wait3A_39 = tpu.memref_slice %arg5[%arg0, %mul3A_2, %dma_wait3A] : memref<2x10112x64xf32, #tpu.memory_space<hbm>> -> memref<1x632x64xf32, #tpu.memory_space<hbm>>
      %dma_wait3A_40 = tpu.memref_squeeze %dma_wait3A_39 : memref<1x632x64xf32, #tpu.memory_space<hbm>> -> memref<632x64xf32, #tpu.memory_space<hbm>>
      %dma_wait3A_41 = arith.constant 0 : i32
      %dma_wait3A_42 = tpu.memref_slice %arg10[%mul3A_2, %dma_wait3A_41] : memref<10112x64xf32, #tpu.memory_space<vmem_shared>> -> memref<632x64xf32, #tpu.memory_space<vmem_shared>>
      tpu.wait_dma2 semaphore(%run_scoped3A : memref<!tpu.dma_semaphore, #tpu.memory_space<semaphore_mem>>) src(%dma_wait3A_42 : memref<632x64xf32, #tpu.memory_space<vmem_shared>>) dst(%dma_wait3A_40 : memref<632x64xf32, #tpu.memory_space<hbm>>)
      tpu.yield
    }) : () -> ()
    return
  }
}

#map = affine_map<(d0, d1) -> (0, 0)>
#map1 = affine_map<(d0, d1) -> (0, 0, 0)>
module attributes {stable_mosaic.version = 14 : i64} {
  func.func @deg_kernel(%arg0: i32, %arg1: i32, %arg2: memref<2560x128xi32, #tpu.memory_space<hbm>>, %arg3: memref<2x10112x16xf32, #tpu.memory_space<hbm>>, %arg4: memref<80x128xi32, #tpu.memory_space<vmem>>, %arg5: memref<128x16xf32, #tpu.memory_space<vmem>>, %arg6: memref<128x16xf32, #tpu.memory_space<vmem>>, %arg7: memref<10112x16xf32, #tpu.memory_space<vmem_shared>>) attributes {dimension_semantics = [#tpu.dimension_semantics<core_parallel>, #tpu.dimension_semantics<subcore_parallel>], iteration_bounds = array<i64: 2, 16>, scalar_prefetch = 0 : i64, scratch_operands = 4 : i64, tpu.core_type = #tpu.core_type<sc_vector_subcore>, window_params = [{transform_indices = #map}, {transform_indices = #map1}]} {
    %mul3A = arith.constant 2 : i32
    %mul3A_0 = arith.muli %arg1, %mul3A : i32
    %add3A = arith.addi %mul3A_0, %arg0 : i32
    %mul3A_1 = arith.constant 632 : i32
    %mul3A_2 = arith.muli %arg1, %mul3A_1 : i32
    %broadcast_in_dim3A = arith.constant 1.000000e+00 : f32
    %broadcast_in_dim3A_3 = vector.broadcast %broadcast_in_dim3A : f32 to vector<16xf32>
    %scan3A = arith.constant 0 : i32
    %scan3A_4 = arith.constant 0 : i32
    %scan3A_5 = arith.constant 128 : i32
    %scan3A_6 = arith.addi %scan3A_4, %scan3A_5 : i32
    %scan3A_7 = arith.constant 4 : i32
    scf.for %scan3A_34 = %scan3A_4 to %scan3A_6 step %scan3A_7  : i32 {
      %swap3A = arith.index_cast %scan3A_34 : i32 to index
      %swap3A_35 = arith.constant 0 : index
      %swap3A_36 = tpu.vector_load %arg5[%swap3A, %swap3A_35] {strides = array<i32>} : memref<128x16xf32, #tpu.memory_space<vmem>>, vector<1x16xf32>,
      %swap3A_37 = vector.shape_cast %swap3A_36 : vector<1x16xf32> to vector<16xf32>
      %swap3A_38 = vector.shape_cast %broadcast_in_dim3A_3 : vector<16xf32> to vector<1x16xf32>
      tpu.vector_store %arg5[%swap3A, %swap3A_35], %swap3A_38 {strides = array<i32>} : memref<128x16xf32, #tpu.memory_space<vmem>>, vector<1x16xf32>,
      %scan3A_39 = arith.constant 1 : i32
      %scan3A_40 = arith.addi %scan3A_34, %scan3A_39 : i32
      %swap3A_41 = arith.index_cast %scan3A_40 : i32 to index
      %swap3A_42 = arith.constant 0 : index
      %swap3A_43 = tpu.vector_load %arg5[%swap3A_41, %swap3A_42] {strides = array<i32>} : memref<128x16xf32, #tpu.memory_space<vmem>>, vector<1x16xf32>,
      %swap3A_44 = vector.shape_cast %swap3A_43 : vector<1x16xf32> to vector<16xf32>
      %swap3A_45 = vector.shape_cast %broadcast_in_dim3A_3 : vector<16xf32> to vector<1x16xf32>
      tpu.vector_store %arg5[%swap3A_41, %swap3A_42], %swap3A_45 {strides = array<i32>} : memref<128x16xf32, #tpu.memory_space<vmem>>, vector<1x16xf32>,
      %scan3A_46 = arith.constant 2 : i32
      %scan3A_47 = arith.addi %scan3A_34, %scan3A_46 : i32
      %swap3A_48 = arith.index_cast %scan3A_47 : i32 to index
      %swap3A_49 = arith.constant 0 : index
      %swap3A_50 = tpu.vector_load %arg5[%swap3A_48, %swap3A_49] {strides = array<i32>} : memref<128x16xf32, #tpu.memory_space<vmem>>, vector<1x16xf32>,
      %swap3A_51 = vector.shape_cast %swap3A_50 : vector<1x16xf32> to vector<16xf32>
      %swap3A_52 = vector.shape_cast %broadcast_in_dim3A_3 : vector<16xf32> to vector<1x16xf32>
      tpu.vector_store %arg5[%swap3A_48, %swap3A_49], %swap3A_52 {strides = array<i32>} : memref<128x16xf32, #tpu.memory_space<vmem>>, vector<1x16xf32>,
      %scan3A_53 = arith.constant 3 : i32
      %scan3A_54 = arith.addi %scan3A_34, %scan3A_53 : i32
      %swap3A_55 = arith.index_cast %scan3A_54 : i32 to index
      %swap3A_56 = arith.constant 0 : index
      %swap3A_57 = tpu.vector_load %arg5[%swap3A_55, %swap3A_56] {strides = array<i32>} : memref<128x16xf32, #tpu.memory_space<vmem>>, vector<1x16xf32>,
      %swap3A_58 = vector.shape_cast %swap3A_57 : vector<1x16xf32> to vector<16xf32>
      %swap3A_59 = vector.shape_cast %broadcast_in_dim3A_3 : vector<16xf32> to vector<1x16xf32>
      tpu.vector_store %arg5[%swap3A_55, %swap3A_56], %swap3A_59 {strides = array<i32>} : memref<128x16xf32, #tpu.memory_space<vmem>>, vector<1x16xf32>,
    }
    %scan3A_8 = arith.constant 128 : i32
    %broadcast_in_dim3A_9 = arith.constant 0.000000e+00 : f32
    %broadcast_in_dim3A_10 = vector.broadcast %broadcast_in_dim3A_9 : f32 to vector<16xf32>
    %scan3A_11 = arith.constant 0 : i32
    %scan3A_12 = arith.constant 0 : i32
    %scan3A_13 = arith.constant 128 : i32
    %scan3A_14 = arith.addi %scan3A_12, %scan3A_13 : i32
    %scan3A_15 = arith.constant 4 : i32
    scf.for %scan3A_34 = %scan3A_12 to %scan3A_14 step %scan3A_15  : i32 {
      %swap3A = arith.index_cast %scan3A_34 : i32 to index
      %swap3A_35 = arith.constant 0 : index
      %swap3A_36 = tpu.vector_load %arg6[%swap3A, %swap3A_35] {strides = array<i32>} : memref<128x16xf32, #tpu.memory_space<vmem>>, vector<1x16xf32>,
      %swap3A_37 = vector.shape_cast %swap3A_36 : vector<1x16xf32> to vector<16xf32>
      %swap3A_38 = vector.shape_cast %broadcast_in_dim3A_10 : vector<16xf32> to vector<1x16xf32>
      tpu.vector_store %arg6[%swap3A, %swap3A_35], %swap3A_38 {strides = array<i32>} : memref<128x16xf32, #tpu.memory_space<vmem>>, vector<1x16xf32>,
      %scan3A_39 = arith.constant 1 : i32
      %scan3A_40 = arith.addi %scan3A_34, %scan3A_39 : i32
      %swap3A_41 = arith.index_cast %scan3A_40 : i32 to index
      %swap3A_42 = arith.constant 0 : index
      %swap3A_43 = tpu.vector_load %arg6[%swap3A_41, %swap3A_42] {strides = array<i32>} : memref<128x16xf32, #tpu.memory_space<vmem>>, vector<1x16xf32>,
      %swap3A_44 = vector.shape_cast %swap3A_43 : vector<1x16xf32> to vector<16xf32>
      %swap3A_45 = vector.shape_cast %broadcast_in_dim3A_10 : vector<16xf32> to vector<1x16xf32>
      tpu.vector_store %arg6[%swap3A_41, %swap3A_42], %swap3A_45 {strides = array<i32>} : memref<128x16xf32, #tpu.memory_space<vmem>>, vector<1x16xf32>,
      %scan3A_46 = arith.constant 2 : i32
      %scan3A_47 = arith.addi %scan3A_34, %scan3A_46 : i32
      %swap3A_48 = arith.index_cast %scan3A_47 : i32 to index
      %swap3A_49 = arith.constant 0 : index
      %swap3A_50 = tpu.vector_load %arg6[%swap3A_48, %swap3A_49] {strides = array<i32>} : memref<128x16xf32, #tpu.memory_space<vmem>>, vector<1x16xf32>,
      %swap3A_51 = vector.shape_cast %swap3A_50 : vector<1x16xf32> to vector<16xf32>
      %swap3A_52 = vector.shape_cast %broadcast_in_dim3A_10 : vector<16xf32> to vector<1x16xf32>
      tpu.vector_store %arg6[%swap3A_48, %swap3A_49], %swap3A_52 {strides = array<i32>} : memref<128x16xf32, #tpu.memory_space<vmem>>, vector<1x16xf32>,
      %scan3A_53 = arith.constant 3 : i32
      %scan3A_54 = arith.addi %scan3A_34, %scan3A_53 : i32
      %swap3A_55 = arith.index_cast %scan3A_54 : i32 to index
      %swap3A_56 = arith.constant 0 : index
      %swap3A_57 = tpu.vector_load %arg6[%swap3A_55, %swap3A_56] {strides = array<i32>} : memref<128x16xf32, #tpu.memory_space<vmem>>, vector<1x16xf32>,
      %swap3A_58 = vector.shape_cast %swap3A_57 : vector<1x16xf32> to vector<16xf32>
      %swap3A_59 = vector.shape_cast %broadcast_in_dim3A_10 : vector<16xf32> to vector<1x16xf32>
      tpu.vector_store %arg6[%swap3A_55, %swap3A_56], %swap3A_59 {strides = array<i32>} : memref<128x16xf32, #tpu.memory_space<vmem>>, vector<1x16xf32>,
    }
    %scan3A_16 = arith.constant 128 : i32
    %scan3A_17 = arith.constant 0 : i32
    %scan3A_18 = arith.constant 0 : i32
    %scan3A_19 = arith.constant 4 : i32
    %scan3A_20 = arith.addi %scan3A_18, %scan3A_19 : i32
    %scan3A_21 = arith.constant 1 : i32
    scf.for %scan3A_34 = %scan3A_18 to %scan3A_20 step %scan3A_21  : i32 {
      %mul3A_35 = arith.constant 128 : i32
      %mul3A_36 = arith.muli %scan3A_34, %mul3A_35 : i32
      %add3A_37 = arith.addi %mul3A_2, %mul3A_36 : i32
      "tpu.region"() ({
        %run_scoped3A = tpu.sem_alloc : memref<!tpu.dma_semaphore, #tpu.memory_space<semaphore_mem>>
        %dma_start3A = arith.constant 0 : i32
        %dma_start3A_38 = tpu.memref_slice %arg7[%add3A_37, %dma_start3A] : memref<10112x16xf32, #tpu.memory_space<vmem_shared>> -> memref<128x16xf32, #tpu.memory_space<vmem_shared>>
        %dma_start3A_39 = arith.constant 0 : i32
        %dma_start3A_40 = tpu.memref_slice %arg7[%add3A_37, %dma_start3A_39] : memref<10112x16xf32, #tpu.memory_space<vmem_shared>> -> memref<128x16xf32, #tpu.memory_space<vmem_shared>>
        tpu.enqueue_dma source(%arg6 : memref<128x16xf32, #tpu.memory_space<vmem>>) target(%dma_start3A_40 : memref<128x16xf32, #tpu.memory_space<vmem_shared>>) target_semaphore(%run_scoped3A : memref<!tpu.dma_semaphore, #tpu.memory_space<semaphore_mem>>)
        %dma_wait3A = arith.constant 0 : i32
        %dma_wait3A_41 = tpu.memref_slice %arg7[%add3A_37, %dma_wait3A] : memref<10112x16xf32, #tpu.memory_space<vmem_shared>> -> memref<128x16xf32, #tpu.memory_space<vmem_shared>>
        %dma_wait3A_42 = arith.constant 0 : i32
        %dma_wait3A_43 = tpu.memref_slice %arg7[%add3A_37, %dma_wait3A_42] : memref<10112x16xf32, #tpu.memory_space<vmem_shared>> -> memref<128x16xf32, #tpu.memory_space<vmem_shared>>
        tpu.wait_dma2 semaphore(%run_scoped3A : memref<!tpu.dma_semaphore, #tpu.memory_space<semaphore_mem>>) src(%arg6 : memref<128x16xf32, #tpu.memory_space<vmem>>) dst(%dma_wait3A_43 : memref<128x16xf32, #tpu.memory_space<vmem_shared>>)
        tpu.yield
      }) : () -> ()
    }
    %scan3A_22 = arith.constant 4 : i32
    %add3A_23 = arith.constant 512 : i32
    %add3A_24 = arith.addi %mul3A_2, %add3A_23 : i32
    "tpu.region"() ({
      %run_scoped3A = tpu.sem_alloc : memref<!tpu.dma_semaphore, #tpu.memory_space<semaphore_mem>>
      %dma_start3A = arith.constant 0 : i32
      %dma_start3A_34 = arith.constant 0 : i32
      %dma_start3A_35 = tpu.memref_slice %arg6[%dma_start3A, %dma_start3A_34] : memref<128x16xf32, #tpu.memory_space<vmem>> -> memref<120x16xf32, #tpu.memory_space<vmem>>
      %dma_start3A_36 = arith.constant 0 : i32
      %dma_start3A_37 = tpu.memref_slice %arg7[%add3A_24, %dma_start3A_36] : memref<10112x16xf32, #tpu.memory_space<vmem_shared>> -> memref<120x16xf32, #tpu.memory_space<vmem_shared>>
      %dma_start3A_38 = arith.constant 0 : i32
      %dma_start3A_39 = tpu.memref_slice %arg7[%add3A_24, %dma_start3A_38] : memref<10112x16xf32, #tpu.memory_space<vmem_shared>> -> memref<120x16xf32, #tpu.memory_space<vmem_shared>>
      %dma_start3A_40 = arith.constant 0 : i32
      %dma_start3A_41 = arith.constant 0 : i32
      %dma_start3A_42 = tpu.memref_slice %arg6[%dma_start3A_40, %dma_start3A_41] : memref<128x16xf32, #tpu.memory_space<vmem>> -> memref<120x16xf32, #tpu.memory_space<vmem>>
      tpu.enqueue_dma source(%dma_start3A_42 : memref<120x16xf32, #tpu.memory_space<vmem>>) target(%dma_start3A_39 : memref<120x16xf32, #tpu.memory_space<vmem_shared>>) target_semaphore(%run_scoped3A : memref<!tpu.dma_semaphore, #tpu.memory_space<semaphore_mem>>)
      %dma_wait3A = arith.constant 0 : i32
      %dma_wait3A_43 = arith.constant 0 : i32
      %dma_wait3A_44 = tpu.memref_slice %arg6[%dma_wait3A, %dma_wait3A_43] : memref<128x16xf32, #tpu.memory_space<vmem>> -> memref<120x16xf32, #tpu.memory_space<vmem>>
      %dma_wait3A_45 = arith.constant 0 : i32
      %dma_wait3A_46 = tpu.memref_slice %arg7[%add3A_24, %dma_wait3A_45] : memref<10112x16xf32, #tpu.memory_space<vmem_shared>> -> memref<120x16xf32, #tpu.memory_space<vmem_shared>>
      %dma_wait3A_47 = arith.constant 0 : i32
      %dma_wait3A_48 = tpu.memref_slice %arg7[%add3A_24, %dma_wait3A_47] : memref<10112x16xf32, #tpu.memory_space<vmem_shared>> -> memref<120x16xf32, #tpu.memory_space<vmem_shared>>
      %dma_wait3A_49 = arith.constant 0 : i32
      %dma_wait3A_50 = arith.constant 0 : i32
      %dma_wait3A_51 = tpu.memref_slice %arg6[%dma_wait3A_49, %dma_wait3A_50] : memref<128x16xf32, #tpu.memory_space<vmem>> -> memref<120x16xf32, #tpu.memory_space<vmem>>
      tpu.wait_dma2 semaphore(%run_scoped3A : memref<!tpu.dma_semaphore, #tpu.memory_space<semaphore_mem>>) src(%dma_wait3A_51 : memref<120x16xf32, #tpu.memory_space<vmem>>) dst(%dma_wait3A_48 : memref<120x16xf32, #tpu.memory_space<vmem_shared>>)
      tpu.yield
    }) : () -> ()
    %mul3A_25 = arith.constant 80 : i32
    %mul3A_26 = arith.muli %add3A, %mul3A_25 : i32
    "tpu.region"() ({
      %run_scoped3A = tpu.sem_alloc : memref<!tpu.dma_semaphore, #tpu.memory_space<semaphore_mem>>
      %dma_start3A = arith.constant 0 : i32
      %dma_start3A_34 = tpu.memref_slice %arg2[%mul3A_26, %dma_start3A] : memref<2560x128xi32, #tpu.memory_space<hbm>> -> memref<80x128xi32, #tpu.memory_space<hbm>>
      %dma_start3A_35 = arith.constant 0 : i32
      %dma_start3A_36 = tpu.memref_slice %arg2[%mul3A_26, %dma_start3A_35] : memref<2560x128xi32, #tpu.memory_space<hbm>> -> memref<80x128xi32, #tpu.memory_space<hbm>>
      tpu.enqueue_dma source(%dma_start3A_36 : memref<80x128xi32, #tpu.memory_space<hbm>>) target(%arg4 : memref<80x128xi32, #tpu.memory_space<vmem>>) target_semaphore(%run_scoped3A : memref<!tpu.dma_semaphore, #tpu.memory_space<semaphore_mem>>)
      %dma_wait3A = arith.constant 0 : i32
      %dma_wait3A_37 = tpu.memref_slice %arg2[%mul3A_26, %dma_wait3A] : memref<2560x128xi32, #tpu.memory_space<hbm>> -> memref<80x128xi32, #tpu.memory_space<hbm>>
      %dma_wait3A_38 = arith.constant 0 : i32
      %dma_wait3A_39 = tpu.memref_slice %arg2[%mul3A_26, %dma_wait3A_38] : memref<2560x128xi32, #tpu.memory_space<hbm>> -> memref<80x128xi32, #tpu.memory_space<hbm>>
      tpu.wait_dma2 semaphore(%run_scoped3A : memref<!tpu.dma_semaphore, #tpu.memory_space<semaphore_mem>>) src(%dma_wait3A_39 : memref<80x128xi32, #tpu.memory_space<hbm>>) dst(%arg4 : memref<80x128xi32, #tpu.memory_space<vmem>>)
      tpu.yield
    }) : () -> ()
    %barrier3A = arith.constant 0 : index
    tpu.barrier barrier_id(%barrier3A)
    %scan3A_27 = arith.constant 0 : i32
    %scan3A_28 = arith.constant 0 : i32
    %scan3A_29 = arith.constant 80 : i32
    %scan3A_30 = arith.addi %scan3A_28, %scan3A_29 : i32
    %scan3A_31 = arith.constant 1 : i32
    scf.for %scan3A_34 = %scan3A_28 to %scan3A_30 step %scan3A_31  : i32 {
      "tpu.region"() ({
        %run_scoped3A = tpu.sem_alloc : memref<!tpu.dma_semaphore, #tpu.memory_space<semaphore_mem>>
        %dma_start3A = arith.constant 0 : i32
        %dma_start3A_35 = tpu.memref_slice %arg4[%scan3A_34, %dma_start3A] : memref<80x128xi32, #tpu.memory_space<vmem>> -> memref<1x128xi32, #tpu.memory_space<vmem>>
        %dma_start3A_36 = tpu.memref_squeeze %dma_start3A_35 : memref<1x128xi32, #tpu.memory_space<vmem>> -> memref<128xi32, #tpu.memory_space<vmem>>
        %dma_start3A_37 = arith.constant 0 : i32
        %dma_start3A_38 = arith.constant 0 : i32
        %dma_start3A_39 = tpu.memref_slice %arg7[%dma_start3A_37, %dma_start3A_38] : memref<10112x16xf32, #tpu.memory_space<vmem_shared>> -> memref<10112x16xf32, #tpu.memory_space<vmem_shared>>
        tpu.enqueue_indirect_dma source(%arg5 : memref<128x16xf32, #tpu.memory_space<vmem>>) target(%dma_start3A_39 : memref<10112x16xf32, #tpu.memory_space<vmem_shared>>) offsets(%dma_start3A_36 : memref<128xi32, #tpu.memory_space<vmem>>) semaphore(%run_scoped3A : memref<!tpu.dma_semaphore, #tpu.memory_space<semaphore_mem>>) {add = true}
        %dma_wait3A = arith.constant 0 : i32
        %dma_wait3A_40 = tpu.memref_slice %arg4[%scan3A_34, %dma_wait3A] : memref<80x128xi32, #tpu.memory_space<vmem>> -> memref<1x128xi32, #tpu.memory_space<vmem>>
        %dma_wait3A_41 = tpu.memref_squeeze %dma_wait3A_40 : memref<1x128xi32, #tpu.memory_space<vmem>> -> memref<128xi32, #tpu.memory_space<vmem>>
        %dma_wait3A_42 = arith.constant 0 : i32
        %dma_wait3A_43 = arith.constant 0 : i32
        %dma_wait3A_44 = tpu.memref_slice %arg7[%dma_wait3A_42, %dma_wait3A_43] : memref<10112x16xf32, #tpu.memory_space<vmem_shared>> -> memref<10112x16xf32, #tpu.memory_space<vmem_shared>>
        tpu.wait_indirect_dma semaphore(%run_scoped3A : memref<!tpu.dma_semaphore, #tpu.memory_space<semaphore_mem>>) src(%arg5 : memref<128x16xf32, #tpu.memory_space<vmem>>) dst(%dma_wait3A_44 : memref<10112x16xf32, #tpu.memory_space<vmem_shared>>)
        tpu.yield
      }) : () -> ()
    }
    %scan3A_32 = arith.constant 80 : i32
    %barrier3A_33 = arith.constant 0 : index
    tpu.barrier barrier_id(%barrier3A_33)
    "tpu.region"() ({
      %run_scoped3A = tpu.sem_alloc : memref<!tpu.dma_semaphore, #tpu.memory_space<semaphore_mem>>
      %dma_start3A = arith.constant 0 : i32
      %dma_start3A_34 = tpu.memref_slice %arg3[%arg0, %mul3A_2, %dma_start3A] : memref<2x10112x16xf32, #tpu.memory_space<hbm>> -> memref<1x632x16xf32, #tpu.memory_space<hbm>>
      %dma_start3A_35 = tpu.memref_squeeze %dma_start3A_34 : memref<1x632x16xf32, #tpu.memory_space<hbm>> -> memref<632x16xf32, #tpu.memory_space<hbm>>
      %dma_start3A_36 = arith.constant 0 : i32
      %dma_start3A_37 = tpu.memref_slice %arg7[%mul3A_2, %dma_start3A_36] : memref<10112x16xf32, #tpu.memory_space<vmem_shared>> -> memref<632x16xf32, #tpu.memory_space<vmem_shared>>
      tpu.enqueue_dma source(%dma_start3A_37 : memref<632x16xf32, #tpu.memory_space<vmem_shared>>) target(%dma_start3A_35 : memref<632x16xf32, #tpu.memory_space<hbm>>) target_semaphore(%run_scoped3A : memref<!tpu.dma_semaphore, #tpu.memory_space<semaphore_mem>>)
      %dma_wait3A = arith.constant 0 : i32
      %dma_wait3A_38 = tpu.memref_slice %arg3[%arg0, %mul3A_2, %dma_wait3A] : memref<2x10112x16xf32, #tpu.memory_space<hbm>> -> memref<1x632x16xf32, #tpu.memory_space<hbm>>
      %dma_wait3A_39 = tpu.memref_squeeze %dma_wait3A_38 : memref<1x632x16xf32, #tpu.memory_space<hbm>> -> memref<632x16xf32, #tpu.memory_space<hbm>>
      %dma_wait3A_40 = arith.constant 0 : i32
      %dma_wait3A_41 = tpu.memref_slice %arg7[%mul3A_2, %dma_wait3A_40] : memref<10112x16xf32, #tpu.memory_space<vmem_shared>> -> memref<632x16xf32, #tpu.memory_space<vmem_shared>>
      tpu.wait_dma2 semaphore(%run_scoped3A : memref<!tpu.dma_semaphore, #tpu.memory_space<semaphore_mem>>) src(%dma_wait3A_41 : memref<632x16xf32, #tpu.memory_space<vmem_shared>>) dst(%dma_wait3A_39 : memref<632x16xf32, #tpu.memory_space<hbm>>)
      tpu.yield
    }) : () -> ()
    return
  }
}

#map = affine_map<(d0, d1) -> (0, 0)>
#map1 = affine_map<(d0, d1) -> (0, 0, 0)>
module attributes {stable_mosaic.version = 14 : i64} {
  func.func @agg_kernel(%arg0: i32, %arg1: i32, %arg2: memref<10000x64xf32, #tpu.memory_space<hbm>>, %arg3: memref<2560x128xi32, #tpu.memory_space<hbm>>, %arg4: memref<2560x128xi32, #tpu.memory_space<hbm>>, %arg5: memref<2x10112x64xf32, #tpu.memory_space<hbm>>, %arg6: memref<80x128xi32, #tpu.memory_space<vmem>>, %arg7: memref<80x128xi32, #tpu.memory_space<vmem>>, %arg8: memref<128x64xf32, #tpu.memory_space<vmem>>, %arg9: memref<128x64xf32, #tpu.memory_space<vmem>>, %arg10: memref<10112x64xf32, #tpu.memory_space<vmem_shared>>, %arg11: memref<!tpu.dma_semaphore, #tpu.memory_space<semaphore_mem>>, %arg12: memref<!tpu.dma_semaphore, #tpu.memory_space<semaphore_mem>>) attributes {dimension_semantics = [#tpu.dimension_semantics<core_parallel>, #tpu.dimension_semantics<subcore_parallel>], iteration_bounds = array<i64: 2, 16>, scalar_prefetch = 0 : i64, scratch_operands = 7 : i64, tpu.core_type = #tpu.core_type<sc_vector_subcore>, window_params = [{transform_indices = #map}, {transform_indices = #map}, {transform_indices = #map}, {transform_indices = #map1}]} {
    %mul3A = arith.constant 2 : i32
    %mul3A_0 = arith.muli %arg1, %mul3A : i32
    %add3A = arith.addi %mul3A_0, %arg0 : i32
    %mul3A_1 = arith.constant 632 : i32
    %mul3A_2 = arith.muli %arg1, %mul3A_1 : i32
    %broadcast_in_dim3A = arith.constant 0.000000e+00 : f32
    %broadcast_in_dim3A_3 = vector.broadcast %broadcast_in_dim3A : f32 to vector<16xf32>
    %scan3A = arith.constant 0 : i32
    %scan3A_4 = arith.constant 0 : i32
    %scan3A_5 = arith.constant 128 : i32
    %scan3A_6 = arith.addi %scan3A_4, %scan3A_5 : i32
    %scan3A_7 = arith.constant 4 : i32
    scf.for %scan3A_34 = %scan3A_4 to %scan3A_6 step %scan3A_7  : i32 {
      %swap3A = arith.index_cast %scan3A_34 : i32 to index
      %swap3A_35 = arith.constant 0 : index
      %swap3A_36 = tpu.vector_load %arg8[%swap3A, %swap3A_35] {strides = array<i32>} : memref<128x64xf32, #tpu.memory_space<vmem>>, vector<1x16xf32>,
      %swap3A_37 = vector.shape_cast %swap3A_36 : vector<1x16xf32> to vector<16xf32>
      %swap3A_38 = vector.shape_cast %broadcast_in_dim3A_3 : vector<16xf32> to vector<1x16xf32>
      tpu.vector_store %arg8[%swap3A, %swap3A_35], %swap3A_38 {strides = array<i32>} : memref<128x64xf32, #tpu.memory_space<vmem>>, vector<1x16xf32>,
      %swap3A_39 = arith.index_cast %scan3A_34 : i32 to index
      %swap3A_40 = arith.constant 16 : index
      %swap3A_41 = tpu.vector_load %arg8[%swap3A_39, %swap3A_40] {strides = array<i32>} : memref<128x64xf32, #tpu.memory_space<vmem>>, vector<1x16xf32>,
      %swap3A_42 = vector.shape_cast %swap3A_41 : vector<1x16xf32> to vector<16xf32>
      %swap3A_43 = vector.shape_cast %broadcast_in_dim3A_3 : vector<16xf32> to vector<1x16xf32>
      tpu.vector_store %arg8[%swap3A_39, %swap3A_40], %swap3A_43 {strides = array<i32>} : memref<128x64xf32, #tpu.memory_space<vmem>>, vector<1x16xf32>,
      %swap3A_44 = arith.index_cast %scan3A_34 : i32 to index
      %swap3A_45 = arith.constant 32 : index
      %swap3A_46 = tpu.vector_load %arg8[%swap3A_44, %swap3A_45] {strides = array<i32>} : memref<128x64xf32, #tpu.memory_space<vmem>>, vector<1x16xf32>,
      %swap3A_47 = vector.shape_cast %swap3A_46 : vector<1x16xf32> to vector<16xf32>
      %swap3A_48 = vector.shape_cast %broadcast_in_dim3A_3 : vector<16xf32> to vector<1x16xf32>
      tpu.vector_store %arg8[%swap3A_44, %swap3A_45], %swap3A_48 {strides = array<i32>} : memref<128x64xf32, #tpu.memory_space<vmem>>, vector<1x16xf32>,
      %swap3A_49 = arith.index_cast %scan3A_34 : i32 to index
      %swap3A_50 = arith.constant 48 : index
      %swap3A_51 = tpu.vector_load %arg8[%swap3A_49, %swap3A_50] {strides = array<i32>} : memref<128x64xf32, #tpu.memory_space<vmem>>, vector<1x16xf32>,
      %swap3A_52 = vector.shape_cast %swap3A_51 : vector<1x16xf32> to vector<16xf32>
      %swap3A_53 = vector.shape_cast %broadcast_in_dim3A_3 : vector<16xf32> to vector<1x16xf32>
      tpu.vector_store %arg8[%swap3A_49, %swap3A_50], %swap3A_53 {strides = array<i32>} : memref<128x64xf32, #tpu.memory_space<vmem>>, vector<1x16xf32>,
      %scan3A_54 = arith.constant 1 : i32
      %scan3A_55 = arith.addi %scan3A_34, %scan3A_54 : i32
      %swap3A_56 = arith.index_cast %scan3A_55 : i32 to index
      %swap3A_57 = arith.constant 0 : index
      %swap3A_58 = tpu.vector_load %arg8[%swap3A_56, %swap3A_57] {strides = array<i32>} : memref<128x64xf32, #tpu.memory_space<vmem>>, vector<1x16xf32>,
      %swap3A_59 = vector.shape_cast %swap3A_58 : vector<1x16xf32> to vector<16xf32>
      %swap3A_60 = vector.shape_cast %broadcast_in_dim3A_3 : vector<16xf32> to vector<1x16xf32>
      tpu.vector_store %arg8[%swap3A_56, %swap3A_57], %swap3A_60 {strides = array<i32>} : memref<128x64xf32, #tpu.memory_space<vmem>>, vector<1x16xf32>,
      %swap3A_61 = arith.index_cast %scan3A_55 : i32 to index
      %swap3A_62 = arith.constant 16 : index
      %swap3A_63 = tpu.vector_load %arg8[%swap3A_61, %swap3A_62] {strides = array<i32>} : memref<128x64xf32, #tpu.memory_space<vmem>>, vector<1x16xf32>,
      %swap3A_64 = vector.shape_cast %swap3A_63 : vector<1x16xf32> to vector<16xf32>
      %swap3A_65 = vector.shape_cast %broadcast_in_dim3A_3 : vector<16xf32> to vector<1x16xf32>
      tpu.vector_store %arg8[%swap3A_61, %swap3A_62], %swap3A_65 {strides = array<i32>} : memref<128x64xf32, #tpu.memory_space<vmem>>, vector<1x16xf32>,
      %swap3A_66 = arith.index_cast %scan3A_55 : i32 to index
      %swap3A_67 = arith.constant 32 : index
      %swap3A_68 = tpu.vector_load %arg8[%swap3A_66, %swap3A_67] {strides = array<i32>} : memref<128x64xf32, #tpu.memory_space<vmem>>, vector<1x16xf32>,
      %swap3A_69 = vector.shape_cast %swap3A_68 : vector<1x16xf32> to vector<16xf32>
      %swap3A_70 = vector.shape_cast %broadcast_in_dim3A_3 : vector<16xf32> to vector<1x16xf32>
      tpu.vector_store %arg8[%swap3A_66, %swap3A_67], %swap3A_70 {strides = array<i32>} : memref<128x64xf32, #tpu.memory_space<vmem>>, vector<1x16xf32>,
      %swap3A_71 = arith.index_cast %scan3A_55 : i32 to index
      %swap3A_72 = arith.constant 48 : index
      %swap3A_73 = tpu.vector_load %arg8[%swap3A_71, %swap3A_72] {strides = array<i32>} : memref<128x64xf32, #tpu.memory_space<vmem>>, vector<1x16xf32>,
      %swap3A_74 = vector.shape_cast %swap3A_73 : vector<1x16xf32> to vector<16xf32>
      %swap3A_75 = vector.shape_cast %broadcast_in_dim3A_3 : vector<16xf32> to vector<1x16xf32>
      tpu.vector_store %arg8[%swap3A_71, %swap3A_72], %swap3A_75 {strides = array<i32>} : memref<128x64xf32, #tpu.memory_space<vmem>>, vector<1x16xf32>,
      %scan3A_76 = arith.constant 2 : i32
      %scan3A_77 = arith.addi %scan3A_34, %scan3A_76 : i32
      %swap3A_78 = arith.index_cast %scan3A_77 : i32 to index
      %swap3A_79 = arith.constant 0 : index
      %swap3A_80 = tpu.vector_load %arg8[%swap3A_78, %swap3A_79] {strides = array<i32>} : memref<128x64xf32, #tpu.memory_space<vmem>>, vector<1x16xf32>,
      %swap3A_81 = vector.shape_cast %swap3A_80 : vector<1x16xf32> to vector<16xf32>
      %swap3A_82 = vector.shape_cast %broadcast_in_dim3A_3 : vector<16xf32> to vector<1x16xf32>
      tpu.vector_store %arg8[%swap3A_78, %swap3A_79], %swap3A_82 {strides = array<i32>} : memref<128x64xf32, #tpu.memory_space<vmem>>, vector<1x16xf32>,
      %swap3A_83 = arith.index_cast %scan3A_77 : i32 to index
      %swap3A_84 = arith.constant 16 : index
      %swap3A_85 = tpu.vector_load %arg8[%swap3A_83, %swap3A_84] {strides = array<i32>} : memref<128x64xf32, #tpu.memory_space<vmem>>, vector<1x16xf32>,
      %swap3A_86 = vector.shape_cast %swap3A_85 : vector<1x16xf32> to vector<16xf32>
      %swap3A_87 = vector.shape_cast %broadcast_in_dim3A_3 : vector<16xf32> to vector<1x16xf32>
      tpu.vector_store %arg8[%swap3A_83, %swap3A_84], %swap3A_87 {strides = array<i32>} : memref<128x64xf32, #tpu.memory_space<vmem>>, vector<1x16xf32>,
      %swap3A_88 = arith.index_cast %scan3A_77 : i32 to index
      %swap3A_89 = arith.constant 32 : index
      %swap3A_90 = tpu.vector_load %arg8[%swap3A_88, %swap3A_89] {strides = array<i32>} : memref<128x64xf32, #tpu.memory_space<vmem>>, vector<1x16xf32>,
      %swap3A_91 = vector.shape_cast %swap3A_90 : vector<1x16xf32> to vector<16xf32>
      %swap3A_92 = vector.shape_cast %broadcast_in_dim3A_3 : vector<16xf32> to vector<1x16xf32>
      tpu.vector_store %arg8[%swap3A_88, %swap3A_89], %swap3A_92 {strides = array<i32>} : memref<128x64xf32, #tpu.memory_space<vmem>>, vector<1x16xf32>,
      %swap3A_93 = arith.index_cast %scan3A_77 : i32 to index
      %swap3A_94 = arith.constant 48 : index
      %swap3A_95 = tpu.vector_load %arg8[%swap3A_93, %swap3A_94] {strides = array<i32>} : memref<128x64xf32, #tpu.memory_space<vmem>>, vector<1x16xf32>,
      %swap3A_96 = vector.shape_cast %swap3A_95 : vector<1x16xf32> to vector<16xf32>
      %swap3A_97 = vector.shape_cast %broadcast_in_dim3A_3 : vector<16xf32> to vector<1x16xf32>
      tpu.vector_store %arg8[%swap3A_93, %swap3A_94], %swap3A_97 {strides = array<i32>} : memref<128x64xf32, #tpu.memory_space<vmem>>, vector<1x16xf32>,
      %scan3A_98 = arith.constant 3 : i32
      %scan3A_99 = arith.addi %scan3A_34, %scan3A_98 : i32
      %swap3A_100 = arith.index_cast %scan3A_99 : i32 to index
      %swap3A_101 = arith.constant 0 : index
      %swap3A_102 = tpu.vector_load %arg8[%swap3A_100, %swap3A_101] {strides = array<i32>} : memref<128x64xf32, #tpu.memory_space<vmem>>, vector<1x16xf32>,
      %swap3A_103 = vector.shape_cast %swap3A_102 : vector<1x16xf32> to vector<16xf32>
      %swap3A_104 = vector.shape_cast %broadcast_in_dim3A_3 : vector<16xf32> to vector<1x16xf32>
      tpu.vector_store %arg8[%swap3A_100, %swap3A_101], %swap3A_104 {strides = array<i32>} : memref<128x64xf32, #tpu.memory_space<vmem>>, vector<1x16xf32>,
      %swap3A_105 = arith.index_cast %scan3A_99 : i32 to index
      %swap3A_106 = arith.constant 16 : index
      %swap3A_107 = tpu.vector_load %arg8[%swap3A_105, %swap3A_106] {strides = array<i32>} : memref<128x64xf32, #tpu.memory_space<vmem>>, vector<1x16xf32>,
      %swap3A_108 = vector.shape_cast %swap3A_107 : vector<1x16xf32> to vector<16xf32>
      %swap3A_109 = vector.shape_cast %broadcast_in_dim3A_3 : vector<16xf32> to vector<1x16xf32>
      tpu.vector_store %arg8[%swap3A_105, %swap3A_106], %swap3A_109 {strides = array<i32>} : memref<128x64xf32, #tpu.memory_space<vmem>>, vector<1x16xf32>,
      %swap3A_110 = arith.index_cast %scan3A_99 : i32 to index
      %swap3A_111 = arith.constant 32 : index
      %swap3A_112 = tpu.vector_load %arg8[%swap3A_110, %swap3A_111] {strides = array<i32>} : memref<128x64xf32, #tpu.memory_space<vmem>>, vector<1x16xf32>,
      %swap3A_113 = vector.shape_cast %swap3A_112 : vector<1x16xf32> to vector<16xf32>
      %swap3A_114 = vector.shape_cast %broadcast_in_dim3A_3 : vector<16xf32> to vector<1x16xf32>
      tpu.vector_store %arg8[%swap3A_110, %swap3A_111], %swap3A_114 {strides = array<i32>} : memref<128x64xf32, #tpu.memory_space<vmem>>, vector<1x16xf32>,
      %swap3A_115 = arith.index_cast %scan3A_99 : i32 to index
      %swap3A_116 = arith.constant 48 : index
      %swap3A_117 = tpu.vector_load %arg8[%swap3A_115, %swap3A_116] {strides = array<i32>} : memref<128x64xf32, #tpu.memory_space<vmem>>, vector<1x16xf32>,
      %swap3A_118 = vector.shape_cast %swap3A_117 : vector<1x16xf32> to vector<16xf32>
      %swap3A_119 = vector.shape_cast %broadcast_in_dim3A_3 : vector<16xf32> to vector<1x16xf32>
      tpu.vector_store %arg8[%swap3A_115, %swap3A_116], %swap3A_119 {strides = array<i32>} : memref<128x64xf32, #tpu.memory_space<vmem>>, vector<1x16xf32>,
    }
    %scan3A_8 = arith.constant 128 : i32
    %scan3A_9 = arith.constant 0 : i32
    %scan3A_10 = arith.constant 0 : i32
    %scan3A_11 = arith.constant 4 : i32
    %scan3A_12 = arith.addi %scan3A_10, %scan3A_11 : i32
    %scan3A_13 = arith.constant 1 : i32
    scf.for %scan3A_34 = %scan3A_10 to %scan3A_12 step %scan3A_13  : i32 {
      %mul3A_35 = arith.constant 128 : i32
      %mul3A_36 = arith.muli %scan3A_34, %mul3A_35 : i32
      %add3A_37 = arith.addi %mul3A_2, %mul3A_36 : i32
      "tpu.region"() ({
        %run_scoped3A = tpu.sem_alloc : memref<!tpu.dma_semaphore, #tpu.memory_space<semaphore_mem>>
        %dma_start3A_38 = arith.constant 0 : i32
        %dma_start3A_39 = tpu.memref_slice %arg10[%add3A_37, %dma_start3A_38] : memref<10112x64xf32, #tpu.memory_space<vmem_shared>> -> memref<128x64xf32, #tpu.memory_space<vmem_shared>>
        %dma_start3A_40 = arith.constant 0 : i32
        %dma_start3A_41 = tpu.memref_slice %arg10[%add3A_37, %dma_start3A_40] : memref<10112x64xf32, #tpu.memory_space<vmem_shared>> -> memref<128x64xf32, #tpu.memory_space<vmem_shared>>
        tpu.enqueue_dma source(%arg8 : memref<128x64xf32, #tpu.memory_space<vmem>>) target(%dma_start3A_41 : memref<128x64xf32, #tpu.memory_space<vmem_shared>>) target_semaphore(%run_scoped3A : memref<!tpu.dma_semaphore, #tpu.memory_space<semaphore_mem>>)
        %dma_wait3A = arith.constant 0 : i32
        %dma_wait3A_42 = tpu.memref_slice %arg10[%add3A_37, %dma_wait3A] : memref<10112x64xf32, #tpu.memory_space<vmem_shared>> -> memref<128x64xf32, #tpu.memory_space<vmem_shared>>
        %dma_wait3A_43 = arith.constant 0 : i32
        %dma_wait3A_44 = tpu.memref_slice %arg10[%add3A_37, %dma_wait3A_43] : memref<10112x64xf32, #tpu.memory_space<vmem_shared>> -> memref<128x64xf32, #tpu.memory_space<vmem_shared>>
        tpu.wait_dma2 semaphore(%run_scoped3A : memref<!tpu.dma_semaphore, #tpu.memory_space<semaphore_mem>>) src(%arg8 : memref<128x64xf32, #tpu.memory_space<vmem>>) dst(%dma_wait3A_44 : memref<128x64xf32, #tpu.memory_space<vmem_shared>>)
        tpu.yield
      }) : () -> ()
    }
    %scan3A_14 = arith.constant 4 : i32
    %add3A_15 = arith.constant 512 : i32
    %add3A_16 = arith.addi %mul3A_2, %add3A_15 : i32
    "tpu.region"() ({
      %run_scoped3A = tpu.sem_alloc : memref<!tpu.dma_semaphore, #tpu.memory_space<semaphore_mem>>
      %dma_start3A_34 = arith.constant 0 : i32
      %dma_start3A_35 = arith.constant 0 : i32
      %dma_start3A_36 = tpu.memref_slice %arg8[%dma_start3A_34, %dma_start3A_35] : memref<128x64xf32, #tpu.memory_space<vmem>> -> memref<120x64xf32, #tpu.memory_space<vmem>>
      %dma_start3A_37 = arith.constant 0 : i32
      %dma_start3A_38 = tpu.memref_slice %arg10[%add3A_16, %dma_start3A_37] : memref<10112x64xf32, #tpu.memory_space<vmem_shared>> -> memref<120x64xf32, #tpu.memory_space<vmem_shared>>
      %dma_start3A_39 = arith.constant 0 : i32
      %dma_start3A_40 = tpu.memref_slice %arg10[%add3A_16, %dma_start3A_39] : memref<10112x64xf32, #tpu.memory_space<vmem_shared>> -> memref<120x64xf32, #tpu.memory_space<vmem_shared>>
      %dma_start3A_41 = arith.constant 0 : i32
      %dma_start3A_42 = arith.constant 0 : i32
      %dma_start3A_43 = tpu.memref_slice %arg8[%dma_start3A_41, %dma_start3A_42] : memref<128x64xf32, #tpu.memory_space<vmem>> -> memref<120x64xf32, #tpu.memory_space<vmem>>
      tpu.enqueue_dma source(%dma_start3A_43 : memref<120x64xf32, #tpu.memory_space<vmem>>) target(%dma_start3A_40 : memref<120x64xf32, #tpu.memory_space<vmem_shared>>) target_semaphore(%run_scoped3A : memref<!tpu.dma_semaphore, #tpu.memory_space<semaphore_mem>>)
      %dma_wait3A = arith.constant 0 : i32
      %dma_wait3A_44 = arith.constant 0 : i32
      %dma_wait3A_45 = tpu.memref_slice %arg8[%dma_wait3A, %dma_wait3A_44] : memref<128x64xf32, #tpu.memory_space<vmem>> -> memref<120x64xf32, #tpu.memory_space<vmem>>
      %dma_wait3A_46 = arith.constant 0 : i32
      %dma_wait3A_47 = tpu.memref_slice %arg10[%add3A_16, %dma_wait3A_46] : memref<10112x64xf32, #tpu.memory_space<vmem_shared>> -> memref<120x64xf32, #tpu.memory_space<vmem_shared>>
      %dma_wait3A_48 = arith.constant 0 : i32
      %dma_wait3A_49 = tpu.memref_slice %arg10[%add3A_16, %dma_wait3A_48] : memref<10112x64xf32, #tpu.memory_space<vmem_shared>> -> memref<120x64xf32, #tpu.memory_space<vmem_shared>>
      %dma_wait3A_50 = arith.constant 0 : i32
      %dma_wait3A_51 = arith.constant 0 : i32
      %dma_wait3A_52 = tpu.memref_slice %arg8[%dma_wait3A_50, %dma_wait3A_51] : memref<128x64xf32, #tpu.memory_space<vmem>> -> memref<120x64xf32, #tpu.memory_space<vmem>>
      tpu.wait_dma2 semaphore(%run_scoped3A : memref<!tpu.dma_semaphore, #tpu.memory_space<semaphore_mem>>) src(%dma_wait3A_52 : memref<120x64xf32, #tpu.memory_space<vmem>>) dst(%dma_wait3A_49 : memref<120x64xf32, #tpu.memory_space<vmem_shared>>)
      tpu.yield
    }) : () -> ()
    %mul3A_17 = arith.constant 80 : i32
    %mul3A_18 = arith.muli %add3A, %mul3A_17 : i32
    "tpu.region"() ({
      %run_scoped3A = tpu.sem_alloc : memref<!tpu.dma_semaphore, #tpu.memory_space<semaphore_mem>>
      %dma_start3A_34 = arith.constant 0 : i32
      %dma_start3A_35 = tpu.memref_slice %arg3[%mul3A_18, %dma_start3A_34] : memref<2560x128xi32, #tpu.memory_space<hbm>> -> memref<80x128xi32, #tpu.memory_space<hbm>>
      %dma_start3A_36 = arith.constant 0 : i32
      %dma_start3A_37 = tpu.memref_slice %arg3[%mul3A_18, %dma_start3A_36] : memref<2560x128xi32, #tpu.memory_space<hbm>> -> memref<80x128xi32, #tpu.memory_space<hbm>>
      tpu.enqueue_dma source(%dma_start3A_37 : memref<80x128xi32, #tpu.memory_space<hbm>>) target(%arg6 : memref<80x128xi32, #tpu.memory_space<vmem>>) target_semaphore(%run_scoped3A : memref<!tpu.dma_semaphore, #tpu.memory_space<semaphore_mem>>)
      %dma_wait3A = arith.constant 0 : i32
      %dma_wait3A_38 = tpu.memref_slice %arg3[%mul3A_18, %dma_wait3A] : memref<2560x128xi32, #tpu.memory_space<hbm>> -> memref<80x128xi32, #tpu.memory_space<hbm>>
      %dma_wait3A_39 = arith.constant 0 : i32
      %dma_wait3A_40 = tpu.memref_slice %arg3[%mul3A_18, %dma_wait3A_39] : memref<2560x128xi32, #tpu.memory_space<hbm>> -> memref<80x128xi32, #tpu.memory_space<hbm>>
      tpu.wait_dma2 semaphore(%run_scoped3A : memref<!tpu.dma_semaphore, #tpu.memory_space<semaphore_mem>>) src(%dma_wait3A_40 : memref<80x128xi32, #tpu.memory_space<hbm>>) dst(%arg6 : memref<80x128xi32, #tpu.memory_space<vmem>>)
      tpu.yield
    }) : () -> ()
    %mul3A_19 = arith.constant 80 : i32
    %mul3A_20 = arith.muli %add3A, %mul3A_19 : i32
    "tpu.region"() ({
      %run_scoped3A = tpu.sem_alloc : memref<!tpu.dma_semaphore, #tpu.memory_space<semaphore_mem>>
      %dma_start3A_34 = arith.constant 0 : i32
      %dma_start3A_35 = tpu.memref_slice %arg4[%mul3A_20, %dma_start3A_34] : memref<2560x128xi32, #tpu.memory_space<hbm>> -> memref<80x128xi32, #tpu.memory_space<hbm>>
      %dma_start3A_36 = arith.constant 0 : i32
      %dma_start3A_37 = tpu.memref_slice %arg4[%mul3A_20, %dma_start3A_36] : memref<2560x128xi32, #tpu.memory_space<hbm>> -> memref<80x128xi32, #tpu.memory_space<hbm>>
      tpu.enqueue_dma source(%dma_start3A_37 : memref<80x128xi32, #tpu.memory_space<hbm>>) target(%arg7 : memref<80x128xi32, #tpu.memory_space<vmem>>) target_semaphore(%run_scoped3A : memref<!tpu.dma_semaphore, #tpu.memory_space<semaphore_mem>>)
      %dma_wait3A = arith.constant 0 : i32
      %dma_wait3A_38 = tpu.memref_slice %arg4[%mul3A_20, %dma_wait3A] : memref<2560x128xi32, #tpu.memory_space<hbm>> -> memref<80x128xi32, #tpu.memory_space<hbm>>
      %dma_wait3A_39 = arith.constant 0 : i32
      %dma_wait3A_40 = tpu.memref_slice %arg4[%mul3A_20, %dma_wait3A_39] : memref<2560x128xi32, #tpu.memory_space<hbm>> -> memref<80x128xi32, #tpu.memory_space<hbm>>
      tpu.wait_dma2 semaphore(%run_scoped3A : memref<!tpu.dma_semaphore, #tpu.memory_space<semaphore_mem>>) src(%dma_wait3A_40 : memref<80x128xi32, #tpu.memory_space<hbm>>) dst(%arg7 : memref<80x128xi32, #tpu.memory_space<vmem>>)
      tpu.yield
    }) : () -> ()
    %barrier3A = arith.constant 0 : index
    tpu.barrier barrier_id(%barrier3A)
    %dma_start3A = arith.constant 0 : i32
    %dma_start3A_21 = arith.constant 0 : i32
    %dma_start3A_22 = tpu.memref_slice %arg6[%dma_start3A, %dma_start3A_21] : memref<80x128xi32, #tpu.memory_space<vmem>> -> memref<1x128xi32, #tpu.memory_space<vmem>>
    %dma_start3A_23 = tpu.memref_squeeze %dma_start3A_22 : memref<1x128xi32, #tpu.memory_space<vmem>> -> memref<128xi32, #tpu.memory_space<vmem>>
    %dma_start3A_24 = arith.constant 0 : i32
    %dma_start3A_25 = arith.constant 0 : i32
    %dma_start3A_26 = tpu.memref_slice %arg2[%dma_start3A_24, %dma_start3A_25] : memref<10000x64xf32, #tpu.memory_space<hbm>> -> memref<10000x64xf32, #tpu.memory_space<hbm>>
    tpu.enqueue_indirect_dma source(%dma_start3A_26 : memref<10000x64xf32, #tpu.memory_space<hbm>>) target(%arg8 : memref<128x64xf32, #tpu.memory_space<vmem>>) offsets(%dma_start3A_23 : memref<128xi32, #tpu.memory_space<vmem>>) semaphore(%arg11 : memref<!tpu.dma_semaphore, #tpu.memory_space<semaphore_mem>>)
    %scan3A_27 = arith.constant 0 : i32
    %scan3A_28 = arith.constant 0 : i32
    %scan3A_29 = arith.constant 40 : i32
    %scan3A_30 = arith.addi %scan3A_28, %scan3A_29 : i32
    %scan3A_31 = arith.constant 1 : i32
    scf.for %scan3A_34 = %scan3A_28 to %scan3A_30 step %scan3A_31  : i32 {
      %mul3A_35 = arith.constant 2 : i32
      %mul3A_36 = arith.muli %mul3A_35, %scan3A_34 : i32
      %add3A_37 = arith.constant 1 : i32
      %add3A_38 = arith.addi %mul3A_36, %add3A_37 : i32
      %dma_start3A_39 = arith.constant 0 : i32
      %dma_start3A_40 = tpu.memref_slice %arg6[%add3A_38, %dma_start3A_39] : memref<80x128xi32, #tpu.memory_space<vmem>> -> memref<1x128xi32, #tpu.memory_space<vmem>>
      %dma_start3A_41 = tpu.memref_squeeze %dma_start3A_40 : memref<1x128xi32, #tpu.memory_space<vmem>> -> memref<128xi32, #tpu.memory_space<vmem>>
      %dma_start3A_42 = arith.constant 0 : i32
      %dma_start3A_43 = arith.constant 0 : i32
      %dma_start3A_44 = tpu.memref_slice %arg2[%dma_start3A_42, %dma_start3A_43] : memref<10000x64xf32, #tpu.memory_space<hbm>> -> memref<10000x64xf32, #tpu.memory_space<hbm>>
      tpu.enqueue_indirect_dma source(%dma_start3A_44 : memref<10000x64xf32, #tpu.memory_space<hbm>>) target(%arg9 : memref<128x64xf32, #tpu.memory_space<vmem>>) offsets(%dma_start3A_41 : memref<128xi32, #tpu.memory_space<vmem>>) semaphore(%arg12 : memref<!tpu.dma_semaphore, #tpu.memory_space<semaphore_mem>>)
      %dma_wait3A = arith.constant 0 : i32
      %dma_wait3A_45 = tpu.memref_slice %arg6[%mul3A_36, %dma_wait3A] : memref<80x128xi32, #tpu.memory_space<vmem>> -> memref<1x128xi32, #tpu.memory_space<vmem>>
      %dma_wait3A_46 = tpu.memref_squeeze %dma_wait3A_45 : memref<1x128xi32, #tpu.memory_space<vmem>> -> memref<128xi32, #tpu.memory_space<vmem>>
      %dma_wait3A_47 = arith.constant 0 : i32
      %dma_wait3A_48 = arith.constant 0 : i32
      %dma_wait3A_49 = tpu.memref_slice %arg2[%dma_wait3A_47, %dma_wait3A_48] : memref<10000x64xf32, #tpu.memory_space<hbm>> -> memref<10000x64xf32, #tpu.memory_space<hbm>>
      tpu.wait_indirect_dma semaphore(%arg11 : memref<!tpu.dma_semaphore, #tpu.memory_space<semaphore_mem>>) src(%dma_wait3A_49 : memref<10000x64xf32, #tpu.memory_space<hbm>>) dst(%arg8 : memref<128x64xf32, #tpu.memory_space<vmem>>)
      "tpu.region"() ({
        %run_scoped3A = tpu.sem_alloc : memref<!tpu.dma_semaphore, #tpu.memory_space<semaphore_mem>>
        %dma_start3A_64 = arith.constant 0 : i32
        %dma_start3A_65 = tpu.memref_slice %arg7[%mul3A_36, %dma_start3A_64] : memref<80x128xi32, #tpu.memory_space<vmem>> -> memref<1x128xi32, #tpu.memory_space<vmem>>
        %dma_start3A_66 = tpu.memref_squeeze %dma_start3A_65 : memref<1x128xi32, #tpu.memory_space<vmem>> -> memref<128xi32, #tpu.memory_space<vmem>>
        %dma_start3A_67 = arith.constant 0 : i32
        %dma_start3A_68 = arith.constant 0 : i32
        %dma_start3A_69 = tpu.memref_slice %arg10[%dma_start3A_67, %dma_start3A_68] : memref<10112x64xf32, #tpu.memory_space<vmem_shared>> -> memref<10112x64xf32, #tpu.memory_space<vmem_shared>>
        tpu.enqueue_indirect_dma source(%arg8 : memref<128x64xf32, #tpu.memory_space<vmem>>) target(%dma_start3A_69 : memref<10112x64xf32, #tpu.memory_space<vmem_shared>>) offsets(%dma_start3A_66 : memref<128xi32, #tpu.memory_space<vmem>>) semaphore(%run_scoped3A : memref<!tpu.dma_semaphore, #tpu.memory_space<semaphore_mem>>) {add = true}
        %dma_wait3A_70 = arith.constant 0 : i32
        %dma_wait3A_71 = tpu.memref_slice %arg7[%mul3A_36, %dma_wait3A_70] : memref<80x128xi32, #tpu.memory_space<vmem>> -> memref<1x128xi32, #tpu.memory_space<vmem>>
        %dma_wait3A_72 = tpu.memref_squeeze %dma_wait3A_71 : memref<1x128xi32, #tpu.memory_space<vmem>> -> memref<128xi32, #tpu.memory_space<vmem>>
        %dma_wait3A_73 = arith.constant 0 : i32
        %dma_wait3A_74 = arith.constant 0 : i32
        %dma_wait3A_75 = tpu.memref_slice %arg10[%dma_wait3A_73, %dma_wait3A_74] : memref<10112x64xf32, #tpu.memory_space<vmem_shared>> -> memref<10112x64xf32, #tpu.memory_space<vmem_shared>>
        tpu.wait_indirect_dma semaphore(%run_scoped3A : memref<!tpu.dma_semaphore, #tpu.memory_space<semaphore_mem>>) src(%arg8 : memref<128x64xf32, #tpu.memory_space<vmem>>) dst(%dma_wait3A_75 : memref<10112x64xf32, #tpu.memory_space<vmem_shared>>)
        tpu.yield
      }) : () -> ()
      %add3A_50 = arith.constant 2 : i32
      %add3A_51 = arith.addi %mul3A_36, %add3A_50 : i32
      %lt3A = arith.constant 80 : i32
      %lt3A_52 = arith.cmpi slt, %add3A_51, %lt3A : i32
      %convert_element_type3A = arith.extui %lt3A_52 : i1 to i32
      %cond3A = arith.constant 0 : i32
      %cond3A_53 = arith.cmpi ne, %convert_element_type3A, %cond3A : i32
      scf.if %cond3A_53 {
        %add3A_64 = arith.constant 2 : i32
        %add3A_65 = arith.addi %mul3A_36, %add3A_64 : i32
        %dma_start3A_66 = arith.constant 0 : i32
        %dma_start3A_67 = tpu.memref_slice %arg6[%add3A_65, %dma_start3A_66] : memref<80x128xi32, #tpu.memory_space<vmem>> -> memref<1x128xi32, #tpu.memory_space<vmem>>
        %dma_start3A_68 = tpu.memref_squeeze %dma_start3A_67 : memref<1x128xi32, #tpu.memory_space<vmem>> -> memref<128xi32, #tpu.memory_space<vmem>>
        %dma_start3A_69 = arith.constant 0 : i32
        %dma_start3A_70 = arith.constant 0 : i32
        %dma_start3A_71 = tpu.memref_slice %arg2[%dma_start3A_69, %dma_start3A_70] : memref<10000x64xf32, #tpu.memory_space<hbm>> -> memref<10000x64xf32, #tpu.memory_space<hbm>>
        tpu.enqueue_indirect_dma source(%dma_start3A_71 : memref<10000x64xf32, #tpu.memory_space<hbm>>) target(%arg8 : memref<128x64xf32, #tpu.memory_space<vmem>>) offsets(%dma_start3A_68 : memref<128xi32, #tpu.memory_space<vmem>>) semaphore(%arg11 : memref<!tpu.dma_semaphore, #tpu.memory_space<semaphore_mem>>)
      } else {
      }
      %add3A_54 = arith.constant 1 : i32
      %add3A_55 = arith.addi %mul3A_36, %add3A_54 : i32
      %dma_wait3A_56 = arith.constant 0 : i32
      %dma_wait3A_57 = tpu.memref_slice %arg6[%add3A_55, %dma_wait3A_56] : memref<80x128xi32, #tpu.memory_space<vmem>> -> memref<1x128xi32, #tpu.memory_space<vmem>>
      %dma_wait3A_58 = tpu.memref_squeeze %dma_wait3A_57 : memref<1x128xi32, #tpu.memory_space<vmem>> -> memref<128xi32, #tpu.memory_space<vmem>>
      %dma_wait3A_59 = arith.constant 0 : i32
      %dma_wait3A_60 = arith.constant 0 : i32
      %dma_wait3A_61 = tpu.memref_slice %arg2[%dma_wait3A_59, %dma_wait3A_60] : memref<10000x64xf32, #tpu.memory_space<hbm>> -> memref<10000x64xf32, #tpu.memory_space<hbm>>
      tpu.wait_indirect_dma semaphore(%arg12 : memref<!tpu.dma_semaphore, #tpu.memory_space<semaphore_mem>>) src(%dma_wait3A_61 : memref<10000x64xf32, #tpu.memory_space<hbm>>) dst(%arg9 : memref<128x64xf32, #tpu.memory_space<vmem>>)
      %add3A_62 = arith.constant 1 : i32
      %add3A_63 = arith.addi %mul3A_36, %add3A_62 : i32
      "tpu.region"() ({
        %run_scoped3A = tpu.sem_alloc : memref<!tpu.dma_semaphore, #tpu.memory_space<semaphore_mem>>
        %dma_start3A_64 = arith.constant 0 : i32
        %dma_start3A_65 = tpu.memref_slice %arg7[%add3A_63, %dma_start3A_64] : memref<80x128xi32, #tpu.memory_space<vmem>> -> memref<1x128xi32, #tpu.memory_space<vmem>>
        %dma_start3A_66 = tpu.memref_squeeze %dma_start3A_65 : memref<1x128xi32, #tpu.memory_space<vmem>> -> memref<128xi32, #tpu.memory_space<vmem>>
        %dma_start3A_67 = arith.constant 0 : i32
        %dma_start3A_68 = arith.constant 0 : i32
        %dma_start3A_69 = tpu.memref_slice %arg10[%dma_start3A_67, %dma_start3A_68] : memref<10112x64xf32, #tpu.memory_space<vmem_shared>> -> memref<10112x64xf32, #tpu.memory_space<vmem_shared>>
        tpu.enqueue_indirect_dma source(%arg9 : memref<128x64xf32, #tpu.memory_space<vmem>>) target(%dma_start3A_69 : memref<10112x64xf32, #tpu.memory_space<vmem_shared>>) offsets(%dma_start3A_66 : memref<128xi32, #tpu.memory_space<vmem>>) semaphore(%run_scoped3A : memref<!tpu.dma_semaphore, #tpu.memory_space<semaphore_mem>>) {add = true}
        %dma_wait3A_70 = arith.constant 0 : i32
        %dma_wait3A_71 = tpu.memref_slice %arg7[%add3A_63, %dma_wait3A_70] : memref<80x128xi32, #tpu.memory_space<vmem>> -> memref<1x128xi32, #tpu.memory_space<vmem>>
        %dma_wait3A_72 = tpu.memref_squeeze %dma_wait3A_71 : memref<1x128xi32, #tpu.memory_space<vmem>> -> memref<128xi32, #tpu.memory_space<vmem>>
        %dma_wait3A_73 = arith.constant 0 : i32
        %dma_wait3A_74 = arith.constant 0 : i32
        %dma_wait3A_75 = tpu.memref_slice %arg10[%dma_wait3A_73, %dma_wait3A_74] : memref<10112x64xf32, #tpu.memory_space<vmem_shared>> -> memref<10112x64xf32, #tpu.memory_space<vmem_shared>>
        tpu.wait_indirect_dma semaphore(%run_scoped3A : memref<!tpu.dma_semaphore, #tpu.memory_space<semaphore_mem>>) src(%arg9 : memref<128x64xf32, #tpu.memory_space<vmem>>) dst(%dma_wait3A_75 : memref<10112x64xf32, #tpu.memory_space<vmem_shared>>)
        tpu.yield
      }) : () -> ()
    }
    %scan3A_32 = arith.constant 40 : i32
    %barrier3A_33 = arith.constant 0 : index
    tpu.barrier barrier_id(%barrier3A_33)
    "tpu.region"() ({
      %run_scoped3A = tpu.sem_alloc : memref<!tpu.dma_semaphore, #tpu.memory_space<semaphore_mem>>
      %dma_start3A_34 = arith.constant 0 : i32
      %dma_start3A_35 = tpu.memref_slice %arg5[%arg0, %mul3A_2, %dma_start3A_34] : memref<2x10112x64xf32, #tpu.memory_space<hbm>> -> memref<1x632x64xf32, #tpu.memory_space<hbm>>
      %dma_start3A_36 = tpu.memref_squeeze %dma_start3A_35 : memref<1x632x64xf32, #tpu.memory_space<hbm>> -> memref<632x64xf32, #tpu.memory_space<hbm>>
      %dma_start3A_37 = arith.constant 0 : i32
      %dma_start3A_38 = tpu.memref_slice %arg10[%mul3A_2, %dma_start3A_37] : memref<10112x64xf32, #tpu.memory_space<vmem_shared>> -> memref<632x64xf32, #tpu.memory_space<vmem_shared>>
      tpu.enqueue_dma source(%dma_start3A_38 : memref<632x64xf32, #tpu.memory_space<vmem_shared>>) target(%dma_start3A_36 : memref<632x64xf32, #tpu.memory_space<hbm>>) target_semaphore(%run_scoped3A : memref<!tpu.dma_semaphore, #tpu.memory_space<semaphore_mem>>)
      %dma_wait3A = arith.constant 0 : i32
      %dma_wait3A_39 = tpu.memref_slice %arg5[%arg0, %mul3A_2, %dma_wait3A] : memref<2x10112x64xf32, #tpu.memory_space<hbm>> -> memref<1x632x64xf32, #tpu.memory_space<hbm>>
      %dma_wait3A_40 = tpu.memref_squeeze %dma_wait3A_39 : memref<1x632x64xf32, #tpu.memory_space<hbm>> -> memref<632x64xf32, #tpu.memory_space<hbm>>
      %dma_wait3A_41 = arith.constant 0 : i32
      %dma_wait3A_42 = tpu.memref_slice %arg10[%mul3A_2, %dma_wait3A_41] : memref<10112x64xf32, #tpu.memory_space<vmem_shared>> -> memref<632x64xf32, #tpu.memory_space<vmem_shared>>
      tpu.wait_dma2 semaphore(%run_scoped3A : memref<!tpu.dma_semaphore, #tpu.memory_space<semaphore_mem>>) src(%dma_wait3A_42 : memref<632x64xf32, #tpu.memory_space<vmem_shared>>) dst(%dma_wait3A_40 : memref<632x64xf32, #tpu.memory_space<hbm>>)
      tpu.yield
    }) : () -> ()
    return
  }
}

module attributes {stable_mosaic.version = 14 : i64} {
  func.func @body(%arg0: i32, %arg1: memref<2000x128xf32, #tpu.memory_space<vmem>>, %arg2: memref<128x64xf32, #tpu.memory_space<vmem>>, %arg3: memref<2000x64xf32, #tpu.memory_space<vmem>>) attributes {dimension_semantics = [#tpu.dimension_semantics<arbitrary>], iteration_bounds = array<i64: 5>, scalar_prefetch = 0 : i64, scratch_operands = 0 : i64, tpu.core_type = #tpu.core_type<tc>, window_params = [{transform_indices = @transform_0, window_bounds = array<i64: 2000, 128>}, {pipeline_mode = #tpu.pipeline_mode<synchronous>, transform_indices = @transform_1, window_bounds = array<i64: 128, 64>}, {transform_indices = @transform_2, window_bounds = array<i64: 2000, 64>}]} {
    %get3A = arith.constant 0 : index
    %get3A_0 = arith.constant 0 : index
    %get3A_1 = vector.load %arg1[%get3A, %get3A_0] : memref<2000x128xf32, #tpu.memory_space<vmem>>, vector<2000x128xf32>
    %get3A_2 = arith.constant 0 : index
    %get3A_3 = arith.constant 0 : index
    %get3A_4 = vector.load %arg2[%get3A_2, %get3A_3] : memref<128x64xf32, #tpu.memory_space<vmem>>, vector<128x64xf32>
    %dot_general3A = arith.constant dense<0.000000e+00> : vector<2000x64xf32>
    %dot_general3A_5 = tpu.matmul %get3A_1, %get3A_4, %dot_general3A {dimension_numbers = #tpu.dot_dimension_numbers<[1], [0], [0], [1], [0, 0, 1, 1], [], []>, transpose_lhs_hint = false} : vector<2000x128xf32>, vector<128x64xf32>, vector<2000x64xf32> -> vector<2000x64xf32>
    %swap3A = arith.constant 0 : index
    %swap3A_6 = arith.constant 0 : index
    %swap3A_7 = vector.load %arg3[%swap3A, %swap3A_6] : memref<2000x64xf32, #tpu.memory_space<vmem>>, vector<2000x64xf32>
    tpu.vector_store %arg3[%swap3A, %swap3A_6], %dot_general3A_5 {strides = array<i32>} : memref<2000x64xf32, #tpu.memory_space<vmem>>, vector<2000x64xf32>,
    return
  }
  func.func @transform_0(%arg0: i32) -> (i32, i32) {
    %c0_i32 = arith.constant 0 : i32
    %c0_i32_0 = arith.constant 0 : i32
    return %arg0, %c0_i32 : i32, i32
  }
  func.func @transform_1(%arg0: i32) -> (i32, i32) {
    %c0_i32 = arith.constant 0 : i32
    %c0_i32_0 = arith.constant 0 : i32
    %c0_i32_1 = arith.constant 0 : i32
    return %c0_i32, %c0_i32_0 : i32, i32
  }
  func.func @transform_2(%arg0: i32) -> (i32, i32) {
    %c0_i32 = arith.constant 0 : i32
    %c0_i32_0 = arith.constant 0 : i32
    return %arg0, %c0_i32 : i32, i32
  }
}

module attributes {stable_mosaic.version = 14 : i64} {
  func.func @body(%arg0: i32, %arg1: memref<2000x64xf32, #tpu.memory_space<vmem>>, %arg2: memref<2000x16xf32, #tpu.memory_space<vmem>>, %arg3: memref<2000x16xf32, #tpu.memory_space<vmem>>, %arg4: memref<2000x64xf32, #tpu.memory_space<vmem>>, %arg5: memref<2000x1xf32, #tpu.memory_space<vmem>>) attributes {dimension_semantics = [#tpu.dimension_semantics<arbitrary>], iteration_bounds = array<i64: 5>, scalar_prefetch = 0 : i64, scratch_operands = 0 : i64, tpu.core_type = #tpu.core_type<tc>, window_params = [{transform_indices = @transform_0, window_bounds = array<i64: 2000, 64>}, {transform_indices = @transform_1, window_bounds = array<i64: 2000, 16>}, {transform_indices = @transform_2, window_bounds = array<i64: 2000, 16>}, {transform_indices = @transform_3, window_bounds = array<i64: 2000, 64>}, {transform_indices = @transform_4, window_bounds = array<i64: 2000, 1>}]} {
    %get3A = arith.constant 0 : index
    %get3A_0 = arith.constant 0 : index
    %get3A_1 = vector.load %arg2[%get3A, %get3A_0] : memref<2000x16xf32, #tpu.memory_space<vmem>>, vector<2000x16xf32>
    %slice3A = vector.extract_strided_slice %get3A_1 {offsets = [0, 0], sizes = [2000, 1], strides = [1, 1]} : vector<2000x16xf32> to vector<2000x1xf32>
    %get3A_2 = arith.constant 0 : index
    %get3A_3 = arith.constant 0 : index
    %get3A_4 = vector.load %arg3[%get3A_2, %get3A_3] : memref<2000x16xf32, #tpu.memory_space<vmem>>, vector<2000x16xf32>
    %slice3A_5 = vector.extract_strided_slice %get3A_4 {offsets = [0, 0], sizes = [2000, 1], strides = [1, 1]} : vector<2000x16xf32> to vector<2000x1xf32>
    %add3A = arith.addf %slice3A, %slice3A_5 : vector<2000x1xf32>
    %add3A_6 = arith.constant 1.000000e+00 : f32
    %add3A_7 = vector.broadcast %add3A_6 : f32 to vector<2000x1xf32>
    %add3A_8 = arith.addf %add3A, %add3A_7 : vector<2000x1xf32>
    %rsqrt3A = math.rsqrt %add3A_8 : vector<2000x1xf32>
    %swap3A = arith.constant 0 : index
    %swap3A_9 = arith.constant 0 : index
    %swap3A_10 = vector.load %arg5[%swap3A, %swap3A_9] : memref<2000x1xf32, #tpu.memory_space<vmem>>, vector<2000x1xf32>
    tpu.vector_store %arg5[%swap3A, %swap3A_9], %rsqrt3A {strides = array<i32>} : memref<2000x1xf32, #tpu.memory_space<vmem>>, vector<2000x1xf32>,
    %get3A_11 = arith.constant 0 : index
    %get3A_12 = arith.constant 0 : index
    %get3A_13 = vector.load %arg1[%get3A_11, %get3A_12] : memref<2000x64xf32, #tpu.memory_space<vmem>>, vector<2000x64xf32>
    %mul3A = vector.broadcast %rsqrt3A : vector<2000x1xf32> to vector<2000x64xf32>
    %mul3A_14 = arith.mulf %get3A_13, %mul3A : vector<2000x64xf32>
    %swap3A_15 = arith.constant 0 : index
    %swap3A_16 = arith.constant 0 : index
    %swap3A_17 = vector.load %arg4[%swap3A_15, %swap3A_16] : memref<2000x64xf32, #tpu.memory_space<vmem>>, vector<2000x64xf32>
    tpu.vector_store %arg4[%swap3A_15, %swap3A_16], %mul3A_14 {strides = array<i32>} : memref<2000x64xf32, #tpu.memory_space<vmem>>, vector<2000x64xf32>,
    return
  }
  func.func @transform_0(%arg0: i32) -> (i32, i32) {
    %c0_i32 = arith.constant 0 : i32
    %c0_i32_0 = arith.constant 0 : i32
    return %arg0, %c0_i32 : i32, i32
  }
  func.func @transform_1(%arg0: i32) -> (i32, i32) {
    %c0_i32 = arith.constant 0 : i32
    %c0_i32_0 = arith.constant 0 : i32
    return %arg0, %c0_i32 : i32, i32
  }
  func.func @transform_2(%arg0: i32) -> (i32, i32) {
    %c0_i32 = arith.constant 0 : i32
    %c0_i32_0 = arith.constant 0 : i32
    return %arg0, %c0_i32 : i32, i32
  }
  func.func @transform_3(%arg0: i32) -> (i32, i32) {
    %c0_i32 = arith.constant 0 : i32
    %c0_i32_0 = arith.constant 0 : i32
    return %arg0, %c0_i32 : i32, i32
  }
  func.func @transform_4(%arg0: i32) -> (i32, i32) {
    %c0_i32 = arith.constant 0 : i32
    %c0_i32_0 = arith.constant 0 : i32
    return %arg0, %c0_i32 : i32, i32
  }
}

module attributes {stable_mosaic.version = 14 : i64} {
  func.func @body(%arg0: i32, %arg1: memref<2000x64xf32, #tpu.memory_space<vmem>>, %arg2: memref<2000x64xf32, #tpu.memory_space<vmem>>, %arg3: memref<2000x64xf32, #tpu.memory_space<vmem>>, %arg4: memref<2000x1xf32, #tpu.memory_space<vmem>>, %arg5: memref<1x64xf32, #tpu.memory_space<vmem>>, %arg6: memref<2000x64xf32, #tpu.memory_space<vmem>>) attributes {dimension_semantics = [#tpu.dimension_semantics<arbitrary>], iteration_bounds = array<i64: 5>, scalar_prefetch = 0 : i64, scratch_operands = 0 : i64, tpu.core_type = #tpu.core_type<tc>, window_params = [{transform_indices = @transform_0, window_bounds = array<i64: 2000, 64>}, {transform_indices = @transform_1, window_bounds = array<i64: 2000, 64>}, {transform_indices = @transform_2, window_bounds = array<i64: 2000, 64>}, {transform_indices = @transform_3, window_bounds = array<i64: 2000, 1>}, {pipeline_mode = #tpu.pipeline_mode<synchronous>, transform_indices = @transform_4, window_bounds = array<i64: 1, 64>}, {transform_indices = @transform_5, window_bounds = array<i64: 2000, 64>}]} {
    %get3A = arith.constant 0 : index
    %get3A_0 = arith.constant 0 : index
    %get3A_1 = vector.load %arg1[%get3A, %get3A_0] : memref<2000x64xf32, #tpu.memory_space<vmem>>, vector<2000x64xf32>
    %get3A_2 = arith.constant 0 : index
    %get3A_3 = arith.constant 0 : index
    %get3A_4 = vector.load %arg2[%get3A_2, %get3A_3] : memref<2000x64xf32, #tpu.memory_space<vmem>>, vector<2000x64xf32>
    %add3A = arith.addf %get3A_1, %get3A_4 : vector<2000x64xf32>
    %get3A_5 = arith.constant 0 : index
    %get3A_6 = arith.constant 0 : index
    %get3A_7 = vector.load %arg3[%get3A_5, %get3A_6] : memref<2000x64xf32, #tpu.memory_space<vmem>>, vector<2000x64xf32>
    %add3A_8 = arith.addf %add3A, %get3A_7 : vector<2000x64xf32>
    %get3A_9 = arith.constant 0 : index
    %get3A_10 = arith.constant 0 : index
    %get3A_11 = vector.load %arg4[%get3A_9, %get3A_10] : memref<2000x1xf32, #tpu.memory_space<vmem>>, vector<2000x1xf32>
    %mul3A = vector.broadcast %get3A_11 : vector<2000x1xf32> to vector<2000x64xf32>
    %mul3A_12 = arith.mulf %add3A_8, %mul3A : vector<2000x64xf32>
    %get3A_13 = arith.constant 0 : index
    %get3A_14 = arith.constant 0 : index
    %get3A_15 = vector.load %arg5[%get3A_13, %get3A_14] : memref<1x64xf32, #tpu.memory_space<vmem>>, vector<1x64xf32>
    %add3A_16 = vector.broadcast %get3A_15 : vector<1x64xf32> to vector<2000x64xf32>
    %add3A_17 = arith.addf %mul3A_12, %add3A_16 : vector<2000x64xf32>
    %max3A = arith.constant 0.000000e+00 : f32
    %max3A_18 = vector.broadcast %max3A : f32 to vector<2000x64xf32>
    %max3A_19 = arith.maximumf %add3A_17, %max3A_18 : vector<2000x64xf32>
    %get3A_20 = arith.constant 0 : index
    %get3A_21 = arith.constant 0 : index
    %get3A_22 = vector.load %arg4[%get3A_20, %get3A_21] : memref<2000x1xf32, #tpu.memory_space<vmem>>, vector<2000x1xf32>
    %mul3A_23 = vector.broadcast %get3A_22 : vector<2000x1xf32> to vector<2000x64xf32>
    %mul3A_24 = arith.mulf %max3A_19, %mul3A_23 : vector<2000x64xf32>
    %swap3A = arith.constant 0 : index
    %swap3A_25 = arith.constant 0 : index
    %swap3A_26 = vector.load %arg6[%swap3A, %swap3A_25] : memref<2000x64xf32, #tpu.memory_space<vmem>>, vector<2000x64xf32>
    tpu.vector_store %arg6[%swap3A, %swap3A_25], %mul3A_24 {strides = array<i32>} : memref<2000x64xf32, #tpu.memory_space<vmem>>, vector<2000x64xf32>,
    return
  }
  func.func @transform_0(%arg0: i32) -> (i32, i32) {
    %c0_i32 = arith.constant 0 : i32
    %c0_i32_0 = arith.constant 0 : i32
    return %arg0, %c0_i32 : i32, i32
  }
  func.func @transform_1(%arg0: i32) -> (i32, i32) {
    %c0_i32 = arith.constant 0 : i32
    %c0_i32_0 = arith.constant 0 : i32
    return %arg0, %c0_i32 : i32, i32
  }
  func.func @transform_2(%arg0: i32) -> (i32, i32) {
    %c0_i32 = arith.constant 0 : i32
    %c0_i32_0 = arith.constant 0 : i32
    return %arg0, %c0_i32 : i32, i32
  }
  func.func @transform_3(%arg0: i32) -> (i32, i32) {
    %c0_i32 = arith.constant 0 : i32
    %c0_i32_0 = arith.constant 0 : i32
    return %arg0, %c0_i32 : i32, i32
  }
  func.func @transform_4(%arg0: i32) -> (i32, i32) {
    %c0_i32 = arith.constant 0 : i32
    %c0_i32_0 = arith.constant 0 : i32
    %c0_i32_1 = arith.constant 0 : i32
    return %c0_i32, %c0_i32_0 : i32, i32
  }
  func.func @transform_5(%arg0: i32) -> (i32, i32) {
    %c0_i32 = arith.constant 0 : i32
    %c0_i32_0 = arith.constant 0 : i32
    return %arg0, %c0_i32 : i32, i32
  }
}

module attributes {stable_mosaic.version = 14 : i64} {
  func.func @body(%arg0: i32, %arg1: memref<2000x64xf32, #tpu.memory_space<vmem>>, %arg2: memref<2000x64xf32, #tpu.memory_space<vmem>>, %arg3: memref<2000x64xf32, #tpu.memory_space<vmem>>, %arg4: memref<2000x1xf32, #tpu.memory_space<vmem>>, %arg5: memref<64x128xf32, #tpu.memory_space<vmem>>, %arg6: memref<1x128xf32, #tpu.memory_space<vmem>>, %arg7: memref<2000x128xf32, #tpu.memory_space<vmem>>) attributes {dimension_semantics = [#tpu.dimension_semantics<arbitrary>], iteration_bounds = array<i64: 5>, scalar_prefetch = 0 : i64, scratch_operands = 0 : i64, tpu.core_type = #tpu.core_type<tc>, window_params = [{transform_indices = @transform_0, window_bounds = array<i64: 2000, 64>}, {transform_indices = @transform_1, window_bounds = array<i64: 2000, 64>}, {transform_indices = @transform_2, window_bounds = array<i64: 2000, 64>}, {transform_indices = @transform_3, window_bounds = array<i64: 2000, 1>}, {pipeline_mode = #tpu.pipeline_mode<synchronous>, transform_indices = @transform_4, window_bounds = array<i64: 64, 128>}, {pipeline_mode = #tpu.pipeline_mode<synchronous>, transform_indices = @transform_5, window_bounds = array<i64: 1, 128>}, {transform_indices = @transform_6, window_bounds = array<i64: 2000, 128>}]} {
    %get3A = arith.constant 0 : index
    %get3A_0 = arith.constant 0 : index
    %get3A_1 = vector.load %arg1[%get3A, %get3A_0] : memref<2000x64xf32, #tpu.memory_space<vmem>>, vector<2000x64xf32>
    %get3A_2 = arith.constant 0 : index
    %get3A_3 = arith.constant 0 : index
    %get3A_4 = vector.load %arg2[%get3A_2, %get3A_3] : memref<2000x64xf32, #tpu.memory_space<vmem>>, vector<2000x64xf32>
    %add3A = arith.addf %get3A_1, %get3A_4 : vector<2000x64xf32>
    %get3A_5 = arith.constant 0 : index
    %get3A_6 = arith.constant 0 : index
    %get3A_7 = vector.load %arg3[%get3A_5, %get3A_6] : memref<2000x64xf32, #tpu.memory_space<vmem>>, vector<2000x64xf32>
    %add3A_8 = arith.addf %add3A, %get3A_7 : vector<2000x64xf32>
    %get3A_9 = arith.constant 0 : index
    %get3A_10 = arith.constant 0 : index
    %get3A_11 = vector.load %arg4[%get3A_9, %get3A_10] : memref<2000x1xf32, #tpu.memory_space<vmem>>, vector<2000x1xf32>
    %mul3A = vector.broadcast %get3A_11 : vector<2000x1xf32> to vector<2000x64xf32>
    %mul3A_12 = arith.mulf %add3A_8, %mul3A : vector<2000x64xf32>
    %get3A_13 = arith.constant 0 : index
    %get3A_14 = arith.constant 0 : index
    %get3A_15 = vector.load %arg5[%get3A_13, %get3A_14] : memref<64x128xf32, #tpu.memory_space<vmem>>, vector<64x128xf32>
    %dot_general3A = arith.constant dense<0.000000e+00> : vector<2000x128xf32>
    %dot_general3A_16 = tpu.matmul %mul3A_12, %get3A_15, %dot_general3A {dimension_numbers = #tpu.dot_dimension_numbers<[1], [0], [0], [1], [0, 0, 1, 1], [], []>, transpose_lhs_hint = false} : vector<2000x64xf32>, vector<64x128xf32>, vector<2000x128xf32> -> vector<2000x128xf32>
    %get3A_17 = arith.constant 0 : index
    %get3A_18 = arith.constant 0 : index
    %get3A_19 = vector.load %arg6[%get3A_17, %get3A_18] : memref<1x128xf32, #tpu.memory_space<vmem>>, vector<1x128xf32>
    %add3A_20 = vector.broadcast %get3A_19 : vector<1x128xf32> to vector<2000x128xf32>
    %add3A_21 = arith.addf %dot_general3A_16, %add3A_20 : vector<2000x128xf32>
    %swap3A = arith.constant 0 : index
    %swap3A_22 = arith.constant 0 : index
    %swap3A_23 = vector.load %arg7[%swap3A, %swap3A_22] : memref<2000x128xf32, #tpu.memory_space<vmem>>, vector<2000x128xf32>
    tpu.vector_store %arg7[%swap3A, %swap3A_22], %add3A_21 {strides = array<i32>} : memref<2000x128xf32, #tpu.memory_space<vmem>>, vector<2000x128xf32>,
    return
  }
  func.func @transform_0(%arg0: i32) -> (i32, i32) {
    %c0_i32 = arith.constant 0 : i32
    %c0_i32_0 = arith.constant 0 : i32
    return %arg0, %c0_i32 : i32, i32
  }
  func.func @transform_1(%arg0: i32) -> (i32, i32) {
    %c0_i32 = arith.constant 0 : i32
    %c0_i32_0 = arith.constant 0 : i32
    return %arg0, %c0_i32 : i32, i32
  }
  func.func @transform_2(%arg0: i32) -> (i32, i32) {
    %c0_i32 = arith.constant 0 : i32
    %c0_i32_0 = arith.constant 0 : i32
    return %arg0, %c0_i32 : i32, i32
  }
  func.func @transform_3(%arg0: i32) -> (i32, i32) {
    %c0_i32 = arith.constant 0 : i32
    %c0_i32_0 = arith.constant 0 : i32
    return %arg0, %c0_i32 : i32, i32
  }
  func.func @transform_4(%arg0: i32) -> (i32, i32) {
    %c0_i32 = arith.constant 0 : i32
    %c0_i32_0 = arith.constant 0 : i32
    %c0_i32_1 = arith.constant 0 : i32
    return %c0_i32, %c0_i32_0 : i32, i32
  }
  func.func @transform_5(%arg0: i32) -> (i32, i32) {
    %c0_i32 = arith.constant 0 : i32
    %c0_i32_0 = arith.constant 0 : i32
    %c0_i32_1 = arith.constant 0 : i32
    return %c0_i32, %c0_i32_0 : i32, i32
  }
  func.func @transform_6(%arg0: i32) -> (i32, i32) {
    %c0_i32 = arith.constant 0 : i32
    %c0_i32_0 = arith.constant 0 : i32
    return %arg0, %c0_i32 : i32, i32
  }
}

</mosaic_0001>

<sc_bundles>
// kernel: kernel.12.cloned.1.call-start
scs
__scs_entry_jumppad:
0x0: {  	(pc) =	sbr.rel $0x88, $3  }
0x1: {  	(tag) =	ssettag $0x0;
	lr =	simm.s32 $0x1  }
0x2: {  	[smem:$0x3F9B] =	sst lr;
	_ =	strace $0xD0000000  }
0x3: {  	_ = 	snop  }
0x4: {  	_ = 	snop  }
0x5: {  	_ = 	snop  }
0x6: {  	_ = 	snop  }
0x7: {  	_ = 	snop  }
__scs_overlays_trampoline_lowered:
0x8: {  	[smem:$0x3FAA] =	sst s0  }
0x9: {  	[smem:$0x3FAB] =	sst s1  }
0xa: {  	[smem:$0x3FAC] =	sst s2  }
0xb: {  	[smem:$0x3FAD] =	sst s3  }
0xc: {  	[smem:$0x3FAE] =	sst s4  }
0xd: {  	[smem:$0x3FAF] =	sst s5  }
0xe: {  	[smem:$0x3FB0] =	sst s6  }
0xf: {  	[smem:$0x3FB1] =	sst s7  }
0x10: {  	[smem:$0x3FB2] =	sst s8  }
0x11: {  	[smem:$0x3FB3] =	sst s9;
	s0 =	simm.s32 @!p0 $0x0  }
0x12: {  	s1 =	sld [smem:$0x3F99];
	s0 =	simm.s32 @p0 $0x1  }
0x13: {  	[smem:$0x3FB4] =	sst s0;
	s0 =	simm.s32 @!p1 $0x0  }
0x14: {  	s2 =	sld [smem:$0x3F98];
	s0 =	simm.s32 @p1 $0x1  }
0x15: {  	[smem:$0x3FB5] =	sst s0;
	s0 =	simm.s32 @!p2 $0x0  }
0x16: {  	s3 =	sld [smem:$0x3FDB];
	s0 =	simm.s32 @p2 $0x1  }
0x17: {  	s4 =	simm.s32 $0x1BF5;
	[smem:$0x3FB7] =	sst s0  }
0x18: {  	s0 =	sld [smem:$0x3F9A];
	_ =	swait.ge [sflag:s4], $0x0  }
0x19: {  	s7 =	sld [smem:$0x3F9B]  }
0x1a: {  	s8 =	sadd.s32 $0xFFFFE003, lr  }
0x1b: {  	s9 =	sadd.s32 $0xFFFFFEF7, lr;
	s5 =	simm.s32 $0xFFFFFFFF;
	p2 =	slt.u32 s8, $0xFFFFF086  }
0x1c: {  	p1 =	slt.u32 s9, $0xF7A;
	s5 =	simm.s32 @!p2 $0x0  }
0x1d: {  	s5 =	simm.s32 @p1 $0x1;
	p0 =	seq.s32 s7, s2  }
0x1e: {  	s7 =	smul.u32 @!p0 $0xF7A, s2;
	p2 =	seq.s32 @!p0 s5, $0x0  }
0x1f: {  	s9 =	smul.u32 $0xF7A, s1;
	s8 =	simm.s32 @!p0 $0x1BF5;
	p2 =	por !p2, p0  }
0x20: {  	[sflag:s8] =	ssyncset.s32 @!p0 $0xFFFFF086;
	s6 =	sadd.s32 @!p0 s3, s7;
	s7 =	simm.s32 @!p0 $0x108  }
0x21: {  	s3 =	sadd.s32 s3, s9;
	s6 =	sadd.s32 @!p0 $0x88, s6;
	s7 =	simm.s32 @p2 $0x1082  }
0x22: {  	[simem:s7], [sflag:s8] =	dma.local @!p0 [hbm:s6], $0xF7A  }
0x23: {  	s9 =	sor.u32 $0xD0000000, s2;
	s6 =	simm.s32 $0x108;
	_ =	swait.ge @!p0 [sflag:s8], $0x0  }
0x24: {  	s3 =	sadd.s32 $0x88, s3;
	s6 =	simm.s32 @!p1 $0x1082;
	[sflag:s4] =	ssyncset.s32 $0xFFFFF086  }
0x25: {  	[simem:s6], [sflag:s4] =	dma.local [hbm:s3], $0xF7A  }
0x26: {  	[smem:$0x3F9B] =	sst s1;
	(tag) =	ssettag s2;
	_ =	strace s9  }
0x27: {  	s1 =	sld [smem:$0x3FAB]  }
0x28: {  	s2 =	sld [smem:$0x3FAC]  }
0x29: {  	s4 =	sld [smem:$0x3FAE]  }
0x2a: {  	p0 =	seq.s32 s5, $0x0;
	s5 =	sld [smem:$0x3FAF]  }
0x2b: {  	s6 =	sld [smem:$0x3FB0]  }
0x2c: {  	s7 =	sld [smem:$0x3FB1]  }
0x2d: {  	s3 =	simm.s32 $0x108;
	s8 =	sld [smem:$0x3FB2]  }
0x2e: {  	s3 =	simm.s32 @!p0 $0x1082;
	s9 =	sld [smem:$0x3FB3]  }
0x2f: {  	lr =	sadd.s32 s0, s3;
	s0 =	sld [smem:$0x3FAA]  }
0x30: {  	s3 =	sld [smem:$0x3FAD]  }
0x31: {  	[smem:$0x3FB6] =	sst s10  }
0x32: {  	s10 =	sld [smem:$0x3FB4];
	_ =	sdelay $0x3  }
0x33: {  	p0 =	seq.s32 s10, $0x1;
	s10 =	sld [smem:$0x3FB6];
	_ =	sdelay $0x3  }
0x34: {  	[smem:$0x3FB6] =	sst s10  }
0x35: {  	s10 =	sld [smem:$0x3FB5];
	_ =	sdelay $0x3  }
0x36: {  	p1 =	seq.s32 s10, $0x1;
	s10 =	sld [smem:$0x3FB6];
	_ =	sdelay $0x3  }
0x37: {  	[smem:$0x3FB6] =	sst s10  }
0x38: {  	s10 =	sld [smem:$0x3FB7]  }
0x39: {  	_ = 	snop;
	(pc) =	sbr.ind lr, $3  }
0x3a: {  	_ = 	snop  }
0x3b: {  	_ = 	snop  }
0x3c: {  	p2 =	seq.s32 s10, $0x1;
	s10 =	sld [smem:$0x3FB6]  }
0x3d: {  	_ =	shalt  }
0x3e: {  	_ =	shalt  }
0x3f: {  	_ =	shalt  }
0x40: {  	_ =	shalt  }
0x41: {  	_ =	shalt  }
0x42: {  	_ =	shalt  }
0x43: {  	_ =	shalt  }
0x44: {  	_ =	shalt  }
0x45: {  	_ =	shalt  }
0x46: {  	_ =	shalt  }
0x47: {  	_ =	shalt  }
0x48: {  	_ =	shalt  }
0x49: {  	_ =	shalt  }
0x4a: {  	_ =	shalt  }
0x4b: {  	_ =	shalt  }
0x4c: {  	_ =	shalt  }
0x4d: {  	_ =	shalt  }
0x4e: {  	_ =	shalt  }
0x4f: {  	_ =	shalt  }
0x50: {  	_ =	shalt  }
0x51: {  	_ =	shalt  }
0x52: {  	_ =	shalt  }
0x53: {  	_ =	shalt  }
0x54: {  	_ =	shalt  }
0x55: {  	_ =	shalt  }
0x56: {  	_ =	shalt  }
0x57: {  	_ =	shalt  }
0x58: {  	_ =	shalt  }
0x59: {  	_ =	shalt  }
0x5a: {  	_ =	shalt  }
0x5b: {  	_ =	shalt  }
0x5c: {  	_ =	shalt  }
0x5d: {  	_ =	shalt  }
0x5e: {  	_ =	shalt  }
0x5f: {  	_ =	shalt  }
0x60: {  	_ =	shalt  }
0x61: {  	_ =	shalt  }
0x62: {  	_ =	shalt  }
0x63: {  	_ =	shalt  }
0x64: {  	_ =	shalt  }
0x65: {  	_ =	shalt  }
0x66: {  	_ =	shalt  }
0x67: {  	_ =	shalt  }
0x68: {  	_ =	shalt  }
0x69: {  	_ =	shalt  }
0x6a: {  	_ =	shalt  }
0x6b: {  	_ =	shalt  }
0x6c: {  	_ =	shalt  }
0x6d: {  	_ =	shalt  }
0x6e: {  	_ =	shalt  }
0x6f: {  	_ =	shalt  }
0x70: {  	_ =	shalt  }
0x71: {  	_ =	shalt  }
0x72: {  	_ =	shalt  }
0x73: {  	_ =	shalt  }
0x74: {  	_ =	shalt  }
0x75: {  	_ =	shalt  }
0x76: {  	_ =	shalt  }
0x77: {  	_ =	shalt  }
0x78: {  	_ =	shalt  }
0x79: {  	_ =	shalt  }
0x7a: {  	_ =	shalt  }
0x7b: {  	_ =	shalt  }
0x7c: {  	_ =	shalt  }
0x7d: {  	_ =	shalt  }
0x7e: {  	_ =	shalt  }
0x7f: {  	_ =	shalt  }
0x80: {  	_ =	shalt  }
0x81: {  	_ =	shalt  }
0x82: {  	_ =	shalt  }
0x83: {  	_ =	shalt  }
0x84: {  	_ =	shalt  }
0x85: {  	_ =	shalt  }
0x86: {  	_ =	shalt  }
0x87: {  	_ =	shalt  }
.Lfunc_end0:
.L_simem_size_0:
called_computation.1_lowered:
.L_overlay_start_0:
0x88: {  	s2 =	sld [smem:$0x3FD9]  }
0x89: {  	s3 =	sld [smem:$0x3FFE];
	_ =	sdelay $0x1  }
0x8a: {  	s1 =	srdreg.scid  }
0x8b: {  	s0 =	sand.u32 $0x1, s1  }
0x8c: {  	s16 =	sshll.u32 s0, $0xA;
	s2 =	sadd.s32 s3, s2  }
0x8d: {  	s2 =	sadd.s32 s2, s16  }
0x8e: {  	[smem:$0x3FC2] =	sst s2  }
0x8f: {  	_ = 	snop  }
0x90: {  	(tm) =	ssettm $0x1  }
0x91: {  	s17 =	sld [smem:$0x3FFB];
	_ =	sdelay $0x3  }
0x92: {  	_ =	strace s17  }
0x93: {  	s2 =	sld [smem:$0x3FFC];
	_ =	sdelay $0x3  }
0x94: {  	_ =	strace s2  }
0x95: {  	s2 =	sld [smem:$0x3FFD];
	_ =	sdelay $0x3  }
0x96: {  	_ =	strace s2  }
0x97: {  	_ =	strace $0x8FFFFFFF  }
0x98: {  	s18 =	sld [smem:$0x3FDB];
	_ =	sdelay $0x1  }
0x99: {  	s19 =	simm.s32 $_scs_section_size  }
0x9a: {  	s4 =	simm.s32 $_size__tile_overlayer_lowered;
	s5 =	simm.s32 $_tile_overlayer_lowered  }
0x9b: {  	s22 =	simm.s32 $0x1BFF;
	s21 =	sshll.u32 s5, $0x1;
	s2 =	sadd.s32 s19, s18  }
0x9c: {  	s6 =	simm.s32 $0x0;
	s20 =	sshll.u32 s4, $0x1;
	s4 =	sadd.s32 s21, s2  }
0x9d: {  	[timem:s6], [sflag:s22] =	dma.local [hbm:s4], s20  }
0x9e: {  	_ =	swait.ge [sflag:s22], s20  }
0x9f: {  	s3 =	ssub.s32 $0x0, s20;
	[sflag:s22] =	ssyncset.done $0x0  }
0xa0: {  	[sflag:s22] =	ssyncadd.s32 s3;
	_ =	sdelay $0x1  }
0xa1: {  	s23 =	simm.s32 $0x1B8B  }
0xa2: {  	_ =	swait.ge [sflag:s23], $0x1  }
0xa3: {  	[sflag:s23] =	ssyncset.done $0x0  }
0xa4: {  	s25 =	simm.s32 $0x1B8E;
	s24 =	sld [smem:$0x3FFE];
	[sflag:s23] =	ssyncadd.s32 $0xFFFFFFFF  }
0xa5: {  	s26 =	simm.s32 $execute0_lowered;
	[smem:$0x3FD2] =	sst s25  }
0xa6: {  	s4 =	sshll.u32 s26, $0x1;
	_ =	strace $0x80000049;
	[dreg:$0x1] =	wrdreg $0xFFFFFFFF  }
0xa7: {  	s28 =	simm.s32 $_size_execute0_lowered;
	s2 =	sadd.s32 s2, s4;
	[dreg:$0x0] =	wrdreg $0x0  }
0xa8: {  	s4 =	sshll.u32 s28, $0x1;
	[dreg:$0x2] =	wrdreg s2  }
0xa9: {  	[dreg:$0x3] =	wrdreg s4  }
0xaa: {  	[dreg:$0x4] =	wrdreg $0xC0  }
0xab: {  	_ =	task [dreg:s6], $0x5FFFF  }
0xac: {  	[dreg:$0x1] =	wrdreg $0xFFFFFFFF  }
0xad: {  	[dreg:$0x0] =	wrdreg $0x60  }
0xae: {  	[dreg:$0x2] =	wrdreg s24  }
0xaf: {  	[dreg:$0x3] =	wrdreg $0x90000  }
0xb0: {  	[dreg:$0x4] =	wrdreg $0x9  }
0xb1: {  	_ =	task.clear_ibuf [dreg:s6], $0x5FFFF;
	_ =	strace $0x90000049  }
0xb2: {  	s29 =	simm.s32 $0x9;
	_ =	strace $0x8000004B  }
0xb3: {  	_ =	swait.ge [sflag:s29], $0x1  }
0xb4: {  	[sflag:s29] =	ssyncadd.s32 $0xFFFFFFFF  }
0xb5: {  	_ =	strace $0x9000004B  }
0xb6: {  	_ =	sfence  }
0xb7: {  	s30 =	sld [smem:$0x0];
	_ =	sdelay $0x2  }
0xb8: {  	s31 =	sshll.u32 s1, $0xD;
	s1 =	sshrl.u32 s1, $0x2  }
0xb9: {  	s3 =	sand.u32 $0x4000, s31;
	s1 =	sadd.s32 s1, s30  }
0xba: {  	s0 =	sor.u32 s3, s0;
	s1 =	sshll.u32 s1, $0x11  }
0xbb: {  	s0 =	sor.u32 s1, s0  }
0xbc: {  	s0 =	sadd.s32 $0x8F2B, s0  }
0xbd: {  	[sflag:s0] =	ssyncadd.remote.s32 $0x1  }
0xbe: {  	_ =	sfence.sel $0xFFFF  }
0xbf: {  	[dreg:$0x0] =	wrdreg $0xFFFFFFFF;
	(pc) =	sbr.abs _section_cstart, $3  }
0xc0: {  	[dreg:$0x1] =	wrdreg $0xFFFFFFFF  }
0xc1: {  	_ =	task.clear_ibuf [dreg:s6], $0x2FFFF;
	_ =	strace $0x9FFFFFFF  }
0xc2: {  	(tm) =	ssettm $0x7FFFFFFF  }
0xc3: {  	_ =	shalt  }
tec
execute0_lowered:
.L_overlay_start_1:
0x0: {  	(tag) =	ssettag $0x1  }
0x1: {  	s1 =	srdreg.scid  }
0x2: {  	s0 =	stileid.u32;
	s6 =	rddreg [dreg:$0x0]  }
0x3: {  	s2 =	rddreg [dreg:$0x1];
	s3 =	simm.s32 $0x0;
	s14 =	simm.s32 $0x5000  }
0x4: {  	s15 =	simm.s32 $0x3;
	s16 =	simm.s32 $0x2800;
	s17 =	simm.s32 $0x80  }
0x5: {  	s18 =	simm.s32 $0x7000;
	s19 =	simm.s32 $0x1;
	s20 =	simm.s32 $0x2  }
0x6: {  	s21 =	simm.s32 $0x2780;
	s22 =	simm.s32 $0x4F00;
	s23 =	simm.s32 $0x4F80  }
0x7: {  	s5 =	sand.u32 $0x1, s1;
	s25 =	sshll.u32 s0, $0x1;
	s10 =	smul.u32 $0x9E00, s0  }
0x8: {  	[smem:$0x7FF] =	sst s3;
	s9 =	smul.u32 $0x27800, s0;
	s4 =	sadd.s32 $0x16800, s6  }
0x9: {  	s1 =	sor.u32 s5, s25;
	s8 =	smul.u32 $0x9E000, s5;
	s28 =	ssub.s32 $0x2, s5  }
0xa: {  	s7 =	smul.u32 $0x500, s1;
	s1 =	rddreg [dreg:$0x2];
	_ =	strace $0x8000004A  }
0xb: {  	s29 =	sshrl.u32 s9, $0x2;
	s31 =	sshrl.u32 s28, $0x1;
	s24 =	sadd.s32 s10, s2  }
0xc: {  	s26 =	sadd.s32 s10, s8;
	s5 =	sadd.s32 s29, s2;
	s12 =	ssub.s32 s28, s31  }
0xd: {  	s24 =	sshrl.u32 s24, $0x3;
	s11 =	sadd.s32 s7, s6;
	s7 =	sshrl.u32 s26, $0x3  }
0xe: {  	s10 =	smax.u32 s12, $0x1;
	s12 =	sadd.s32 $0x4000, s5;
	s13 =	sadd.s32 $0x6000, s5  }
0xf: {  	s30 =	sadd.s32 s7, s6;
	s6 =	sadd.s32 $0x8000, s5;
	s7 =	sadd.s32 $0xC800, s11  }
0x10: {  	v0 =	vimm.f32 $0.0e+00;
	s8 =	sadd.s32 $0x2800, s11;
	s11 =	sadd.s32 $0x2000, s5;
	s9 =	sadd.s32 $0x2A200, s30  }
.LBB2_1:
0x11: {  	s25 =	simm.s32 $0x5080  }
0x12: {  	[tilespmem:s25+$0xFFFFFF80] =	vst v0  }
0x13: {  	[tilespmem:s25+$0x70] =	vst v0  }
0x14: {  	[tilespmem:s25+$0x60] =	vst v0  }
0x15: {  	[tilespmem:s25+$0x50] =	vst v0  }
0x16: {  	[tilespmem:s25+$0x40] =	vst v0  }
0x17: {  	[tilespmem:s25+$0x30] =	vst v0  }
0x18: {  	[tilespmem:s25+$0x20] =	vst v0  }
0x19: {  	[tilespmem:s25+$0x10] =	vst v0  }
0x1a: {  	[tilespmem:s25+$0x0] =	vst v0  }
0x1b: {  	[tilespmem:s25+$0xFFFFFFF0] =	vst v0  }
0x1c: {  	[tilespmem:s25+$0xFFFFFFE0] =	vst v0  }
0x1d: {  	[tilespmem:s25+$0xFFFFFFD0] =	vst v0  }
0x1e: {  	[tilespmem:s25+$0xFFFFFFC0] =	vst v0  }
0x1f: {  	[tilespmem:s25+$0xFFFFFFB0] =	vst v0  }
0x20: {  	s26 =	simm.s32 $0x0;
	[tilespmem:s25+$0xFFFFFFA0] =	vst v0  }
.LBB2_2:
0x21: {  	s26 =	sadd.s32 $0x4, s26;
	[tilespmem:s25+$0xFFFFFF90] =	vst v0;
	s25 =	sadd.s32 $0x100, s25  }
0x22: {  	[tilespmem:s25+$0xFFFFFF80] =	vst v0;
	p0 =	slt.u32 s26, $0x7C  }
0x23: {  	[tilespmem:s25+$0x70] =	vst v0  }
0x24: {  	[tilespmem:s25+$0x60] =	vst v0  }
0x25: {  	[tilespmem:s25+$0x50] =	vst v0  }
0x26: {  	[tilespmem:s25+$0x40] =	vst v0  }
0x27: {  	[tilespmem:s25+$0x30] =	vst v0  }
0x28: {  	[tilespmem:s25+$0x20] =	vst v0  }
0x29: {  	[tilespmem:s25+$0x10] =	vst v0  }
0x2a: {  	[tilespmem:s25+$0x0] =	vst v0  }
0x2b: {  	[tilespmem:s25+$0xFFFFFFF0] =	vst v0  }
.Ltmp0:
0x2c: {  	[tilespmem:s25+$0xFFFFFFE0] =	vst v0;
	(pc) =	sbr.rel @p0 .LBB2_2-.Ltmp0, $4  }
0x2d: {  	[tilespmem:s25+$0xFFFFFFD0] =	vst v0  }
0x2e: {  	[tilespmem:s25+$0xFFFFFFC0] =	vst v0  }
0x2f: {  	[tilespmem:s25+$0xFFFFFFB0] =	vst v0  }
0x30: {  	[tilespmem:s25+$0xFFFFFFA0] =	vst v0  }
0x31: {  	[tilespmem:s25+$0xFFFFFF90] =	vst v0  }
0x32: {  	[spmem:s5] =	stream.linear.scatter [tilespmem:s14], [sflag:$0x3], $0x2000, $0x38;
	[tilespmem:$0x12E00] =	vst v63  }
0x33: {  	_ =	swait.ge [sflag:s15], $0x2000  }
0x34: {  	[sflag:s15] =	ssyncset.done $0x0  }
0x35: {  	[sflag:s15] =	ssyncadd.s32 $0xFFFFE000  }
0x36: {  	[spmem:s11] =	stream.linear.scatter [tilespmem:s14], [sflag:$0x3], $0x2000, $0x38;
	[tilespmem:$0x12E00] =	vst v63  }
0x37: {  	_ =	swait.ge [sflag:s15], $0x2000  }
0x38: {  	[sflag:s15] =	ssyncset.done $0x0  }
0x39: {  	[sflag:s15] =	ssyncadd.s32 $0xFFFFE000  }
0x3a: {  	[spmem:s12] =	stream.linear.scatter [tilespmem:s14], [sflag:$0x3], $0x2000, $0x38;
	[tilespmem:$0x12E00] =	vst v63  }
0x3b: {  	_ =	swait.ge [sflag:s15], $0x2000  }
0x3c: {  	[sflag:s15] =	ssyncset.done $0x0  }
0x3d: {  	[sflag:s15] =	ssyncadd.s32 $0xFFFFE000  }
0x3e: {  	[spmem:s13] =	stream.linear.scatter [tilespmem:s14], [sflag:$0x3], $0x2000, $0x38;
	[tilespmem:$0x12E00] =	vst v63  }
0x3f: {  	_ =	swait.ge [sflag:s15], $0x2000  }
0x40: {  	[sflag:s15] =	ssyncset.done $0x0  }
0x41: {  	[sflag:s15] =	ssyncadd.s32 $0xFFFFE000  }
0x42: {  	[spmem:s6] =	stream.linear.scatter [tilespmem:s14], [sflag:$0x3], $0x1E00, $0x38;
	[tilespmem:$0x12E00] =	vst v63  }
0x43: {  	_ =	swait.ge [sflag:s15], $0x1E00  }
0x44: {  	[sflag:s15] =	ssyncset.done $0x0  }
0x45: {  	s26 =	simm.s32 $0x0;
	[sflag:s15] =	ssyncadd.s32 $0xFFFFE200  }
0x46: {  	[tilespmem:s26], [sflag:$0x3] =	stream.linear.gather [hbm4b:s7+s26], $0x2800, $0x38;
	[tilespmem:$0x12E00] =	vst v63  }
0x47: {  	_ =	swait.ge [sflag:s15], $0x2800  }
0x48: {  	[sflag:s15] =	ssyncset.done $0x0  }
0x49: {  	[sflag:s15] =	ssyncadd.s32 $0xFFFFD800  }
0x4a: {  	[tilespmem:s16], [sflag:$0x3] =	stream.linear.gather [hbm4b:s8+s26], $0x2800, $0x38;
	[tilespmem:$0x12E00] =	vst v63  }
0x4b: {  	_ =	swait.ge [sflag:s15], $0x2800  }
0x4c: {  	[sflag:s15] =	ssyncset.done $0x0  }
0x4d: {  	[sflag:s15] =	ssyncadd.s32 $0xFFFFD800  }
0x4e: {  	[bflag:$0x0] =	sbarrier.arrive $0xFFFF  }
0x4f: {  	[tilespmem:s14], [sflag:$0x1] =	stream.indirect.gather [hbm4b:s4+s17], $0x40, s26, s17, $0xb8;
	[tilespmem:$0x12E00] =	vst v63  }
0x50: {  	s28 =	simm.s32 $0x80  }
0x51: {  	[tilespmem:s18], [sflag:$0x2] =	stream.indirect.gather [hbm4b:s4+s17], $0x40, s28, s17, $0xb8;
	[tilespmem:$0x12E00] =	vst v63  }
0x52: {  	_ =	swait.ge [sflag:s19], $0x2000  }
0x53: {  	[sflag:s19] =	ssyncset.done $0x0  }
0x54: {  	s29 =	simm.s32 $0x2800;
	[sflag:s19] =	ssyncadd.s32 $0xFFFFE000  }
0x55: {  	[spmem:s2] =	stream.indirect.scatter.add.f32 [tilespmem:s14], [sflag:$0x3], $0x40, s29, s17, $0xb8;
	[tilespmem:$0x12E00] =	vst v63  }
0x56: {  	_ =	swait.ge [sflag:s15], $0x2000  }
0x57: {  	[sflag:s15] =	ssyncset.done $0x0  }
0x58: {  	s30 =	simm.s32 $0x100;
	[sflag:s15] =	ssyncadd.s32 $0xFFFFE000  }
0x59: {  	[tilespmem:s14], [sflag:$0x1] =	stream.indirect.gather [hbm4b:s4+s17], $0x40, s30, s17, $0xb8;
	[tilespmem:$0x12E00] =	vst v63  }
0x5a: {  	_ =	swait.ge [sflag:s20], $0x2000  }
0x5b: {  	[sflag:s20] =	ssyncset.done $0x0  }
0x5c: {  	s31 =	simm.s32 $0x2880;
	[sflag:s20] =	ssyncadd.s32 $0xFFFFE000  }
0x5d: {  	[spmem:s2] =	stream.indirect.scatter.add.f32 [tilespmem:s18], [sflag:$0x3], $0x40, s31, s17, $0xb8;
	[tilespmem:$0x12E00] =	vst v63  }
0x5e: {  	_ =	swait.ge [sflag:s15], $0x2000  }
0x5f: {  	s25 =	simm.s32 $0x100;
	s26 =	simm.s32 $0x800;
	[sflag:s15] =	ssyncset.done $0x0  }
.LBB2_4:
0x60: {  	s28 =	sadd.s32 $0x80, s25  }
0x61: {  	[sflag:s15] =	ssyncadd.s32 $0xFFFFE000;
	s29 =	smov.u32 s26;
	s30 =	sadd.s32 $0x400, s26  }
0x62: {  	[tilespmem:s18], [sflag:$0x2] =	stream.indirect.gather [hbm4b:s4+s17], $0x40, s28, s17, $0xb8;
	[tilespmem:$0x12E00] =	vst v63  }
0x63: {  	p0 =	sne.s32 s26, $0x9800;
	_ =	swait.ge [sflag:s19], $0x2000  }
0x64: {  	[sflag:s19] =	ssyncset.done $0x0  }
0x65: {  	s26 =	sadd.s32 $0x2800, s25;
	[sflag:s19] =	ssyncadd.s32 $0xFFFFE000  }
0x66: {  	[spmem:s2] =	stream.indirect.scatter.add.f32 [tilespmem:s14], [sflag:$0x3], $0x40, s26, s17, $0xb8;
	[tilespmem:$0x12E00] =	vst v63  }
0x67: {  	_ =	swait.ge [sflag:s15], $0x2000  }
0x68: {  	[sflag:s15] =	ssyncset.done $0x0  }
0x69: {  	s26 =	sadd.s32 $0x100, s25;
	[sflag:s15] =	ssyncadd.s32 $0xFFFFE000  }
0x6a: {  	[tilespmem:s14], [sflag:$0x1] =	stream.indirect.gather [hbm4b:s4+s17], $0x40, s26, s17, $0xb8;
	[tilespmem:$0x12E00] =	vst v63  }
0x6b: {  	_ =	swait.ge [sflag:s20], $0x2000  }
.Ltmp1:
0x6c: {  	[sflag:s20] =	ssyncset.done $0x0;
	(pc) =	sbr.rel @p0 .LBB2_4-.Ltmp1, $4  }
0x6d: {  	s25 =	sadd.s32 $0x2880, s25;
	[sflag:s20] =	ssyncadd.s32 $0xFFFFE000  }
0x6e: {  	[spmem:s2] =	stream.indirect.scatter.add.f32 [tilespmem:s18], [sflag:$0x3], $0x40, s25, s17, $0xb8;
	[tilespmem:$0x12E00] =	vst v63  }
0x6f: {  	_ =	swait.ge [sflag:s15], $0x2000  }
0x70: {  	s26 =	smov.u32 s30;
	s25 =	sshra.s32 s29, $0x2;
	[sflag:s15] =	ssyncset.done $0x0  }
0x71: {  	s26 =	sadd.s32 $0x80, s25;
	[sflag:s15] =	ssyncadd.s32 $0xFFFFE000  }
0x72: {  	[tilespmem:s18], [sflag:$0x2] =	stream.indirect.gather [hbm4b:s4+s17], $0x40, s26, s17, $0xb8;
	[tilespmem:$0x12E00] =	vst v63  }
0x73: {  	_ =	swait.ge [sflag:s19], $0x2000  }
0x74: {  	[sflag:s19] =	ssyncset.done $0x0  }
0x75: {  	s28 =	sadd.s32 $0x2800, s25;
	[sflag:s19] =	ssyncadd.s32 $0xFFFFE000  }
0x76: {  	[spmem:s2] =	stream.indirect.scatter.add.f32 [tilespmem:s14], [sflag:$0x3], $0x40, s28, s17, $0xb8;
	[tilespmem:$0x12E00] =	vst v63  }
0x77: {  	_ =	swait.ge [sflag:s15], $0x2000  }
0x78: {  	[sflag:s15] =	ssyncset.done $0x0  }
0x79: {  	s29 =	sadd.s32 $0x100, s25;
	[sflag:s15] =	ssyncadd.s32 $0xFFFFE000  }
0x7a: {  	[tilespmem:s14], [sflag:$0x1] =	stream.indirect.gather [hbm4b:s4+s17], $0x40, s29, s17, $0xb8;
	[tilespmem:$0x12E00] =	vst v63  }
0x7b: {  	_ =	swait.ge [sflag:s20], $0x2000  }
0x7c: {  	[sflag:s20] =	ssyncset.done $0x0  }
0x7d: {  	s30 =	sadd.s32 $0x2880, s25;
	[sflag:s20] =	ssyncadd.s32 $0xFFFFE000  }
0x7e: {  	[spmem:s2] =	stream.indirect.scatter.add.f32 [tilespmem:s18], [sflag:$0x3], $0x40, s30, s17, $0xb8;
	[tilespmem:$0x12E00] =	vst v63  }
0x7f: {  	_ =	swait.ge [sflag:s15], $0x2000  }
0x80: {  	[sflag:s15] =	ssyncset.done $0x0  }
0x81: {  	[sflag:s15] =	ssyncadd.s32 $0xFFFFE000  }
0x82: {  	[tilespmem:s18], [sflag:$0x2] =	stream.indirect.gather [hbm4b:s4+s17], $0x40, s21, s17, $0xb8;
	[tilespmem:$0x12E00] =	vst v63  }
0x83: {  	_ =	swait.ge [sflag:s19], $0x2000  }
0x84: {  	[sflag:s19] =	ssyncset.done $0x0  }
0x85: {  	[sflag:s19] =	ssyncadd.s32 $0xFFFFE000  }
0x86: {  	[spmem:s2] =	stream.indirect.scatter.add.f32 [tilespmem:s14], [sflag:$0x3], $0x40, s22, s17, $0xb8;
	[tilespmem:$0x12E00] =	vst v63  }
0x87: {  	_ =	swait.ge [sflag:s15], $0x2000  }
0x88: {  	[sflag:s15] =	ssyncset.done $0x0  }
0x89: {  	[sflag:s15] =	ssyncadd.s32 $0xFFFFE000  }
0x8a: {  	_ =	swait.ge [sflag:s20], $0x2000  }
0x8b: {  	[sflag:s20] =	ssyncset.done $0x0  }
0x8c: {  	[sflag:s20] =	ssyncadd.s32 $0xFFFFE000  }
0x8d: {  	[spmem:s2] =	stream.indirect.scatter.add.f32 [tilespmem:s18], [sflag:$0x3], $0x40, s23, s17, $0xb8;
	[tilespmem:$0x12E00] =	vst v63  }
0x8e: {  	_ =	swait.ge [sflag:s15], $0x2000  }
0x8f: {  	s3 =	sadd.s32 $0x1, s3;
	[sflag:s15] =	ssyncset.done $0x0  }
0x90: {  	s31 =	sshll.u32 s0, $0x6;
	p0 =	sne.s32 s3, s10;
	[sflag:s15] =	ssyncadd.s32 $0xFFFFE000  }
.Ltmp2:
0x91: {  	s25 =	sor.u32 $0x1C03, s31;
	[bflag:$0x0] =	sbarrier.arrive $0xFFFF;
	(pc) =	sbr.rel @p0 .LBB2_1-.Ltmp2, $4  }
0x92: {  	[hbm:s9], [sflag:s25] =	dma.local [spmem:s24], $0x13C0  }
0x93: {  	_ =	swait.ge [sflag:s15], $0x13C0  }
0x94: {  	[sflag:s15] =	ssyncset.done $0x0  }
0x95: {  	[sflag:s15] =	ssyncadd.s32 $0xFFFFEC40  }
0x96: {  	_ =	sfence.sel $0x180000  }
0x97: {  	[bflag:$0x0] =	sbarrier.arrive $0xFFFF  }
0x98: {  	p0 =	sne.s32 s0, $0x0;
	_ =	strace $0x9000004A  }
0x99: {  	s0 =	sadd.s32 @!p0 $0x100000, s1;
	[bflag:$0x2] =	sbarrier.arrive $0xFFFF  }
0x9a: {  	[sflag:s0] =	ssyncadd.tile.s32 @!p0 $0x1;
	_ =	shalt  }
.Lfunc_end2:
_tile_overlayer_lowered:
.L_overlay_start_2:
0x9b: {  	(tag) =	ssettag $0x2  }
0x9c: {  	s0 =	rddreg [dreg:$0x0];
	s2 =	stileid.u32  }
0x9d: {  	s1 =	rddreg [dreg:$0x1];
	p0 =	sne.s32 s2, $0x0  }
0x9e: {  	s3 =	rddreg [dreg:$0x2];
	[bflag:$0x3] =	sbarrier.arrive $0xFFFF;
	s2 =	simm.s32 @!p0 $0x1C03  }
0x9f: {  	[timem:s3], [sflag:s2] =	dma.local @!p0 [hbm:s0], s1  }
0xa0: {  	s0 =	simm.s32 @!p0 $0x3  }
0xa1: {  	_ =	swait.ge @!p0 [sflag:s0], s1  }
0xa2: {  	s1 =	ssub.s32 @!p0 $0x0, s1;
	[sflag:s0] =	ssyncset.done @!p0 $0x0  }
0xa3: {  	[sflag:s0] =	ssyncadd.s32 @!p0 s1  }
0xa4: {  	[bflag:$0x3] =	sbarrier.arrive $0xFFFF  }
0xa5: {  	_ =	shalt  }

// kernel: kernel.15.cloned.1.call-start
scs
__scs_entry_jumppad:
0x0: {  	(pc) =	sbr.rel $0x88, $3  }
0x1: {  	(tag) =	ssettag $0x0;
	lr =	simm.s32 $0x1  }
0x2: {  	[smem:$0x3F9B] =	sst lr;
	_ =	strace $0xD0000000  }
0x3: {  	_ = 	snop  }
0x4: {  	_ = 	snop  }
0x5: {  	_ = 	snop  }
0x6: {  	_ = 	snop  }
0x7: {  	_ = 	snop  }
__scs_overlays_trampoline_lowered:
0x8: {  	[smem:$0x3FAA] =	sst s0  }
0x9: {  	[smem:$0x3FAB] =	sst s1  }
0xa: {  	[smem:$0x3FAC] =	sst s2  }
0xb: {  	[smem:$0x3FAD] =	sst s3  }
0xc: {  	[smem:$0x3FAE] =	sst s4  }
0xd: {  	[smem:$0x3FAF] =	sst s5  }
0xe: {  	[smem:$0x3FB0] =	sst s6  }
0xf: {  	[smem:$0x3FB1] =	sst s7  }
0x10: {  	[smem:$0x3FB2] =	sst s8  }
0x11: {  	[smem:$0x3FB3] =	sst s9;
	s0 =	simm.s32 @!p0 $0x0  }
0x12: {  	s1 =	sld [smem:$0x3F99];
	s0 =	simm.s32 @p0 $0x1  }
0x13: {  	[smem:$0x3FB4] =	sst s0;
	s0 =	simm.s32 @!p1 $0x0  }
0x14: {  	s2 =	sld [smem:$0x3F98];
	s0 =	simm.s32 @p1 $0x1  }
0x15: {  	[smem:$0x3FB5] =	sst s0;
	s0 =	simm.s32 @!p2 $0x0  }
0x16: {  	s3 =	sld [smem:$0x3FDB];
	s0 =	simm.s32 @p2 $0x1  }
0x17: {  	s4 =	simm.s32 $0x1BF5;
	[smem:$0x3FB7] =	sst s0  }
0x18: {  	s0 =	sld [smem:$0x3F9A];
	_ =	swait.ge [sflag:s4], $0x0  }
0x19: {  	s7 =	sld [smem:$0x3F9B]  }
0x1a: {  	s8 =	sadd.s32 $0xFFFFE003, lr  }
0x1b: {  	s9 =	sadd.s32 $0xFFFFFEF7, lr;
	s5 =	simm.s32 $0xFFFFFFFF;
	p2 =	slt.u32 s8, $0xFFFFF086  }
0x1c: {  	p1 =	slt.u32 s9, $0xF7A;
	s5 =	simm.s32 @!p2 $0x0  }
0x1d: {  	s5 =	simm.s32 @p1 $0x1;
	p0 =	seq.s32 s7, s2  }
0x1e: {  	s7 =	smul.u32 @!p0 $0xF7A, s2;
	p2 =	seq.s32 @!p0 s5, $0x0  }
0x1f: {  	s9 =	smul.u32 $0xF7A, s1;
	s8 =	simm.s32 @!p0 $0x1BF5;
	p2 =	por !p2, p0  }
0x20: {  	[sflag:s8] =	ssyncset.s32 @!p0 $0xFFFFF086;
	s6 =	sadd.s32 @!p0 s3, s7;
	s7 =	simm.s32 @!p0 $0x108  }
0x21: {  	s3 =	sadd.s32 s3, s9;
	s6 =	sadd.s32 @!p0 $0x88, s6;
	s7 =	simm.s32 @p2 $0x1082  }
0x22: {  	[simem:s7], [sflag:s8] =	dma.local @!p0 [hbm:s6], $0xF7A  }
0x23: {  	s9 =	sor.u32 $0xD0000000, s2;
	s6 =	simm.s32 $0x108;
	_ =	swait.ge @!p0 [sflag:s8], $0x0  }
0x24: {  	s3 =	sadd.s32 $0x88, s3;
	s6 =	simm.s32 @!p1 $0x1082;
	[sflag:s4] =	ssyncset.s32 $0xFFFFF086  }
0x25: {  	[simem:s6], [sflag:s4] =	dma.local [hbm:s3], $0xF7A  }
0x26: {  	[smem:$0x3F9B] =	sst s1;
	(tag) =	ssettag s2;
	_ =	strace s9  }
0x27: {  	s1 =	sld [smem:$0x3FAB]  }
0x28: {  	s2 =	sld [smem:$0x3FAC]  }
0x29: {  	s4 =	sld [smem:$0x3FAE]  }
0x2a: {  	p0 =	seq.s32 s5, $0x0;
	s5 =	sld [smem:$0x3FAF]  }
0x2b: {  	s6 =	sld [smem:$0x3FB0]  }
0x2c: {  	s7 =	sld [smem:$0x3FB1]  }
0x2d: {  	s3 =	simm.s32 $0x108;
	s8 =	sld [smem:$0x3FB2]  }
0x2e: {  	s3 =	simm.s32 @!p0 $0x1082;
	s9 =	sld [smem:$0x3FB3]  }
0x2f: {  	lr =	sadd.s32 s0, s3;
	s0 =	sld [smem:$0x3FAA]  }
0x30: {  	s3 =	sld [smem:$0x3FAD]  }
0x31: {  	[smem:$0x3FB6] =	sst s10  }
0x32: {  	s10 =	sld [smem:$0x3FB4];
	_ =	sdelay $0x3  }
0x33: {  	p0 =	seq.s32 s10, $0x1;
	s10 =	sld [smem:$0x3FB6];
	_ =	sdelay $0x3  }
0x34: {  	[smem:$0x3FB6] =	sst s10  }
0x35: {  	s10 =	sld [smem:$0x3FB5];
	_ =	sdelay $0x3  }
0x36: {  	p1 =	seq.s32 s10, $0x1;
	s10 =	sld [smem:$0x3FB6];
	_ =	sdelay $0x3  }
0x37: {  	[smem:$0x3FB6] =	sst s10  }
0x38: {  	s10 =	sld [smem:$0x3FB7]  }
0x39: {  	_ = 	snop;
	(pc) =	sbr.ind lr, $3  }
0x3a: {  	_ = 	snop  }
0x3b: {  	_ = 	snop  }
0x3c: {  	p2 =	seq.s32 s10, $0x1;
	s10 =	sld [smem:$0x3FB6]  }
0x3d: {  	_ =	shalt  }
0x3e: {  	_ =	shalt  }
0x3f: {  	_ =	shalt  }
0x40: {  	_ =	shalt  }
0x41: {  	_ =	shalt  }
0x42: {  	_ =	shalt  }
0x43: {  	_ =	shalt  }
0x44: {  	_ =	shalt  }
0x45: {  	_ =	shalt  }
0x46: {  	_ =	shalt  }
0x47: {  	_ =	shalt  }
0x48: {  	_ =	shalt  }
0x49: {  	_ =	shalt  }
0x4a: {  	_ =	shalt  }
0x4b: {  	_ =	shalt  }
0x4c: {  	_ =	shalt  }
0x4d: {  	_ =	shalt  }
0x4e: {  	_ =	shalt  }
0x4f: {  	_ =	shalt  }
0x50: {  	_ =	shalt  }
0x51: {  	_ =	shalt  }
0x52: {  	_ =	shalt  }
0x53: {  	_ =	shalt  }
0x54: {  	_ =	shalt  }
0x55: {  	_ =	shalt  }
0x56: {  	_ =	shalt  }
0x57: {  	_ =	shalt  }
0x58: {  	_ =	shalt  }
0x59: {  	_ =	shalt  }
0x5a: {  	_ =	shalt  }
0x5b: {  	_ =	shalt  }
0x5c: {  	_ =	shalt  }
0x5d: {  	_ =	shalt  }
0x5e: {  	_ =	shalt  }
0x5f: {  	_ =	shalt  }
0x60: {  	_ =	shalt  }
0x61: {  	_ =	shalt  }
0x62: {  	_ =	shalt  }
0x63: {  	_ =	shalt  }
0x64: {  	_ =	shalt  }
0x65: {  	_ =	shalt  }
0x66: {  	_ =	shalt  }
0x67: {  	_ =	shalt  }
0x68: {  	_ =	shalt  }
0x69: {  	_ =	shalt  }
0x6a: {  	_ =	shalt  }
0x6b: {  	_ =	shalt  }
0x6c: {  	_ =	shalt  }
0x6d: {  	_ =	shalt  }
0x6e: {  	_ =	shalt  }
0x6f: {  	_ =	shalt  }
0x70: {  	_ =	shalt  }
0x71: {  	_ =	shalt  }
0x72: {  	_ =	shalt  }
0x73: {  	_ =	shalt  }
0x74: {  	_ =	shalt  }
0x75: {  	_ =	shalt  }
0x76: {  	_ =	shalt  }
0x77: {  	_ =	shalt  }
0x78: {  	_ =	shalt  }
0x79: {  	_ =	shalt  }
0x7a: {  	_ =	shalt  }
0x7b: {  	_ =	shalt  }
0x7c: {  	_ =	shalt  }
0x7d: {  	_ =	shalt  }
0x7e: {  	_ =	shalt  }
0x7f: {  	_ =	shalt  }
0x80: {  	_ =	shalt  }
0x81: {  	_ =	shalt  }
0x82: {  	_ =	shalt  }
0x83: {  	_ =	shalt  }
0x84: {  	_ =	shalt  }
0x85: {  	_ =	shalt  }
0x86: {  	_ =	shalt  }
0x87: {  	_ =	shalt  }
.Lfunc_end0:
.L_simem_size_0:
called_computation.2_lowered:
.L_overlay_start_0:
0x88: {  	s2 =	sld [smem:$0x3FD9]  }
0x89: {  	s3 =	sld [smem:$0x3FFE];
	_ =	sdelay $0x1  }
0x8a: {  	s1 =	srdreg.scid  }
0x8b: {  	s0 =	sand.u32 $0x1, s1  }
0x8c: {  	s16 =	sshll.u32 s0, $0xA;
	s2 =	sadd.s32 s3, s2  }
0x8d: {  	s2 =	sadd.s32 s2, s16  }
0x8e: {  	[smem:$0x3FC2] =	sst s2  }
0x8f: {  	_ = 	snop  }
0x90: {  	(tm) =	ssettm $0x1  }
0x91: {  	s17 =	sld [smem:$0x3FFB];
	_ =	sdelay $0x3  }
0x92: {  	_ =	strace s17  }
0x93: {  	s2 =	sld [smem:$0x3FFC];
	_ =	sdelay $0x3  }
0x94: {  	_ =	strace s2  }
0x95: {  	s2 =	sld [smem:$0x3FFD];
	_ =	sdelay $0x3  }
0x96: {  	_ =	strace s2  }
0x97: {  	_ =	strace $0x8FFFFFFF  }
0x98: {  	s18 =	sld [smem:$0x3FDB];
	_ =	sdelay $0x1  }
0x99: {  	s19 =	simm.s32 $_scs_section_size  }
0x9a: {  	s4 =	simm.s32 $_size__tile_overlayer_lowered;
	s5 =	simm.s32 $_tile_overlayer_lowered  }
0x9b: {  	s22 =	simm.s32 $0x1BFF;
	s21 =	sshll.u32 s5, $0x1;
	s2 =	sadd.s32 s19, s18  }
0x9c: {  	s6 =	simm.s32 $0x0;
	s20 =	sshll.u32 s4, $0x1;
	s4 =	sadd.s32 s21, s2  }
0x9d: {  	[timem:s6], [sflag:s22] =	dma.local [hbm:s4], s20  }
0x9e: {  	_ =	swait.ge [sflag:s22], s20  }
0x9f: {  	s3 =	ssub.s32 $0x0, s20;
	[sflag:s22] =	ssyncset.done $0x0  }
0xa0: {  	[sflag:s22] =	ssyncadd.s32 s3;
	_ =	sdelay $0x1  }
0xa1: {  	s23 =	simm.s32 $0x1B8B  }
0xa2: {  	_ =	swait.ge [sflag:s23], $0x1  }
0xa3: {  	[sflag:s23] =	ssyncset.done $0x0  }
0xa4: {  	s25 =	simm.s32 $0x1B8E;
	s24 =	sld [smem:$0x3FFE];
	[sflag:s23] =	ssyncadd.s32 $0xFFFFFFFF  }
0xa5: {  	s26 =	simm.s32 $execute0_lowered;
	[smem:$0x3FD2] =	sst s25  }
0xa6: {  	s4 =	sshll.u32 s26, $0x1;
	_ =	strace $0x8000004C;
	[dreg:$0x1] =	wrdreg $0xFFFFFFFF  }
0xa7: {  	s28 =	simm.s32 $_size_execute0_lowered;
	s2 =	sadd.s32 s2, s4;
	[dreg:$0x0] =	wrdreg $0x0  }
0xa8: {  	s4 =	sshll.u32 s28, $0x1;
	[dreg:$0x2] =	wrdreg s2  }
0xa9: {  	[dreg:$0x3] =	wrdreg s4  }
0xaa: {  	[dreg:$0x4] =	wrdreg $0xC0  }
0xab: {  	_ =	task [dreg:s6], $0x5FFFF  }
0xac: {  	[dreg:$0x1] =	wrdreg $0xFFFFFFFF  }
0xad: {  	[dreg:$0x0] =	wrdreg $0x60  }
0xae: {  	[dreg:$0x2] =	wrdreg s24  }
0xaf: {  	[dreg:$0x3] =	wrdreg $0x90000  }
0xb0: {  	[dreg:$0x4] =	wrdreg $0x9  }
0xb1: {  	_ =	task.clear_ibuf [dreg:s6], $0x5FFFF;
	_ =	strace $0x9000004C  }
0xb2: {  	s29 =	simm.s32 $0x9;
	_ =	strace $0x8000004E  }
0xb3: {  	_ =	swait.ge [sflag:s29], $0x1  }
0xb4: {  	[sflag:s29] =	ssyncadd.s32 $0xFFFFFFFF  }
0xb5: {  	_ =	strace $0x9000004E  }
0xb6: {  	_ =	sfence  }
0xb7: {  	s30 =	sld [smem:$0x0];
	_ =	sdelay $0x2  }
0xb8: {  	s31 =	sshll.u32 s1, $0xD;
	s1 =	sshrl.u32 s1, $0x2  }
0xb9: {  	s3 =	sand.u32 $0x4000, s31;
	s1 =	sadd.s32 s1, s30  }
0xba: {  	s0 =	sor.u32 s3, s0;
	s1 =	sshll.u32 s1, $0x11  }
0xbb: {  	s0 =	sor.u32 s1, s0  }
0xbc: {  	s0 =	sadd.s32 $0x8F2B, s0  }
0xbd: {  	[sflag:s0] =	ssyncadd.remote.s32 $0x1  }
0xbe: {  	_ =	sfence.sel $0xFFFF  }
0xbf: {  	[dreg:$0x0] =	wrdreg $0xFFFFFFFF;
	(pc) =	sbr.abs _section_cstart, $3  }
0xc0: {  	[dreg:$0x1] =	wrdreg $0xFFFFFFFF  }
0xc1: {  	_ =	task.clear_ibuf [dreg:s6], $0x2FFFF;
	_ =	strace $0x9FFFFFFF  }
0xc2: {  	(tm) =	ssettm $0x7FFFFFFF  }
0xc3: {  	_ =	shalt  }
tec
execute0_lowered:
.L_overlay_start_1:
0x0: {  	(tag) =	ssettag $0x1  }
0x1: {  	s1 =	srdreg.scid  }
0x2: {  	s0 =	stileid.u32;
	s6 =	rddreg [dreg:$0x0]  }
0x3: {  	s2 =	rddreg [dreg:$0x1];
	s3 =	simm.s32 $0x0;
	s14 =	simm.s32 $0x5000  }
0x4: {  	s15 =	simm.s32 $0x3;
	s16 =	simm.s32 $0x2800;
	s17 =	simm.s32 $0x80  }
0x5: {  	s18 =	simm.s32 $0x7000;
	s19 =	simm.s32 $0x1;
	s20 =	simm.s32 $0x2  }
0x6: {  	s21 =	simm.s32 $0x2780;
	s22 =	simm.s32 $0x4F00;
	s23 =	simm.s32 $0x4F80  }
0x7: {  	s5 =	sand.u32 $0x1, s1;
	s25 =	sshll.u32 s0, $0x1;
	s10 =	smul.u32 $0x9E00, s0  }
0x8: {  	[smem:$0x7FF] =	sst s3;
	s9 =	smul.u32 $0x27800, s0;
	s4 =	sadd.s32 $0x16800, s6  }
0x9: {  	s1 =	sor.u32 s5, s25;
	s8 =	smul.u32 $0x9E000, s5;
	s28 =	ssub.s32 $0x2, s5  }
0xa: {  	s7 =	smul.u32 $0x500, s1;
	s1 =	rddreg [dreg:$0x2];
	_ =	strace $0x8000004D  }
0xb: {  	s29 =	sshrl.u32 s9, $0x2;
	s31 =	sshrl.u32 s28, $0x1;
	s24 =	sadd.s32 s10, s2  }
0xc: {  	s26 =	sadd.s32 s10, s8;
	s5 =	sadd.s32 s29, s2;
	s12 =	ssub.s32 s28, s31  }
0xd: {  	s24 =	sshrl.u32 s24, $0x3;
	s11 =	sadd.s32 s7, s6;
	s7 =	sshrl.u32 s26, $0x3  }
0xe: {  	s10 =	smax.u32 s12, $0x1;
	s12 =	sadd.s32 $0x4000, s5;
	s13 =	sadd.s32 $0x6000, s5  }
0xf: {  	s30 =	sadd.s32 s7, s6;
	s6 =	sadd.s32 $0x8000, s5;
	s7 =	sadd.s32 $0xC800, s11  }
0x10: {  	v0 =	vimm.f32 $0.0e+00;
	s8 =	sadd.s32 $0x2800, s11;
	s11 =	sadd.s32 $0x2000, s5;
	s9 =	sadd.s32 $0x2A200, s30  }
.LBB2_1:
0x11: {  	s25 =	simm.s32 $0x5080  }
0x12: {  	[tilespmem:s25+$0xFFFFFF80] =	vst v0  }
0x13: {  	[tilespmem:s25+$0x70] =	vst v0  }
0x14: {  	[tilespmem:s25+$0x60] =	vst v0  }
0x15: {  	[tilespmem:s25+$0x50] =	vst v0  }
0x16: {  	[tilespmem:s25+$0x40] =	vst v0  }
0x17: {  	[tilespmem:s25+$0x30] =	vst v0  }
0x18: {  	[tilespmem:s25+$0x20] =	vst v0  }
0x19: {  	[tilespmem:s25+$0x10] =	vst v0  }
0x1a: {  	[tilespmem:s25+$0x0] =	vst v0  }
0x1b: {  	[tilespmem:s25+$0xFFFFFFF0] =	vst v0  }
0x1c: {  	[tilespmem:s25+$0xFFFFFFE0] =	vst v0  }
0x1d: {  	[tilespmem:s25+$0xFFFFFFD0] =	vst v0  }
0x1e: {  	[tilespmem:s25+$0xFFFFFFC0] =	vst v0  }
0x1f: {  	[tilespmem:s25+$0xFFFFFFB0] =	vst v0  }
0x20: {  	s26 =	simm.s32 $0x0;
	[tilespmem:s25+$0xFFFFFFA0] =	vst v0  }
.LBB2_2:
0x21: {  	s26 =	sadd.s32 $0x4, s26;
	[tilespmem:s25+$0xFFFFFF90] =	vst v0;
	s25 =	sadd.s32 $0x100, s25  }
0x22: {  	[tilespmem:s25+$0xFFFFFF80] =	vst v0;
	p0 =	slt.u32 s26, $0x7C  }
0x23: {  	[tilespmem:s25+$0x70] =	vst v0  }
0x24: {  	[tilespmem:s25+$0x60] =	vst v0  }
0x25: {  	[tilespmem:s25+$0x50] =	vst v0  }
0x26: {  	[tilespmem:s25+$0x40] =	vst v0  }
0x27: {  	[tilespmem:s25+$0x30] =	vst v0  }
0x28: {  	[tilespmem:s25+$0x20] =	vst v0  }
0x29: {  	[tilespmem:s25+$0x10] =	vst v0  }
0x2a: {  	[tilespmem:s25+$0x0] =	vst v0  }
0x2b: {  	[tilespmem:s25+$0xFFFFFFF0] =	vst v0  }
.Ltmp0:
0x2c: {  	[tilespmem:s25+$0xFFFFFFE0] =	vst v0;
	(pc) =	sbr.rel @p0 .LBB2_2-.Ltmp0, $4  }
0x2d: {  	[tilespmem:s25+$0xFFFFFFD0] =	vst v0  }
0x2e: {  	[tilespmem:s25+$0xFFFFFFC0] =	vst v0  }
0x2f: {  	[tilespmem:s25+$0xFFFFFFB0] =	vst v0  }
0x30: {  	[tilespmem:s25+$0xFFFFFFA0] =	vst v0  }
0x31: {  	[tilespmem:s25+$0xFFFFFF90] =	vst v0  }
0x32: {  	[spmem:s5] =	stream.linear.scatter [tilespmem:s14], [sflag:$0x3], $0x2000, $0x38;
	[tilespmem:$0x12E00] =	vst v63  }
0x33: {  	_ =	swait.ge [sflag:s15], $0x2000  }
0x34: {  	[sflag:s15] =	ssyncset.done $0x0  }
0x35: {  	[sflag:s15] =	ssyncadd.s32 $0xFFFFE000  }
0x36: {  	[spmem:s11] =	stream.linear.scatter [tilespmem:s14], [sflag:$0x3], $0x2000, $0x38;
	[tilespmem:$0x12E00] =	vst v63  }
0x37: {  	_ =	swait.ge [sflag:s15], $0x2000  }
0x38: {  	[sflag:s15] =	ssyncset.done $0x0  }
0x39: {  	[sflag:s15] =	ssyncadd.s32 $0xFFFFE000  }
0x3a: {  	[spmem:s12] =	stream.linear.scatter [tilespmem:s14], [sflag:$0x3], $0x2000, $0x38;
	[tilespmem:$0x12E00] =	vst v63  }
0x3b: {  	_ =	swait.ge [sflag:s15], $0x2000  }
0x3c: {  	[sflag:s15] =	ssyncset.done $0x0  }
0x3d: {  	[sflag:s15] =	ssyncadd.s32 $0xFFFFE000  }
0x3e: {  	[spmem:s13] =	stream.linear.scatter [tilespmem:s14], [sflag:$0x3], $0x2000, $0x38;
	[tilespmem:$0x12E00] =	vst v63  }
0x3f: {  	_ =	swait.ge [sflag:s15], $0x2000  }
0x40: {  	[sflag:s15] =	ssyncset.done $0x0  }
0x41: {  	[sflag:s15] =	ssyncadd.s32 $0xFFFFE000  }
0x42: {  	[spmem:s6] =	stream.linear.scatter [tilespmem:s14], [sflag:$0x3], $0x1E00, $0x38;
	[tilespmem:$0x12E00] =	vst v63  }
0x43: {  	_ =	swait.ge [sflag:s15], $0x1E00  }
0x44: {  	[sflag:s15] =	ssyncset.done $0x0  }
0x45: {  	s26 =	simm.s32 $0x0;
	[sflag:s15] =	ssyncadd.s32 $0xFFFFE200  }
0x46: {  	[tilespmem:s26], [sflag:$0x3] =	stream.linear.gather [hbm4b:s7+s26], $0x2800, $0x38;
	[tilespmem:$0x12E00] =	vst v63  }
0x47: {  	_ =	swait.ge [sflag:s15], $0x2800  }
0x48: {  	[sflag:s15] =	ssyncset.done $0x0  }
0x49: {  	[sflag:s15] =	ssyncadd.s32 $0xFFFFD800  }
0x4a: {  	[tilespmem:s16], [sflag:$0x3] =	stream.linear.gather [hbm4b:s8+s26], $0x2800, $0x38;
	[tilespmem:$0x12E00] =	vst v63  }
0x4b: {  	_ =	swait.ge [sflag:s15], $0x2800  }
0x4c: {  	[sflag:s15] =	ssyncset.done $0x0  }
0x4d: {  	[sflag:s15] =	ssyncadd.s32 $0xFFFFD800  }
0x4e: {  	[bflag:$0x0] =	sbarrier.arrive $0xFFFF  }
0x4f: {  	[tilespmem:s14], [sflag:$0x1] =	stream.indirect.gather [hbm4b:s4+s17], $0x40, s26, s17, $0xb8;
	[tilespmem:$0x12E00] =	vst v63  }
0x50: {  	s28 =	simm.s32 $0x80  }
0x51: {  	[tilespmem:s18], [sflag:$0x2] =	stream.indirect.gather [hbm4b:s4+s17], $0x40, s28, s17, $0xb8;
	[tilespmem:$0x12E00] =	vst v63  }
0x52: {  	_ =	swait.ge [sflag:s19], $0x2000  }
0x53: {  	[sflag:s19] =	ssyncset.done $0x0  }
0x54: {  	s29 =	simm.s32 $0x2800;
	[sflag:s19] =	ssyncadd.s32 $0xFFFFE000  }
0x55: {  	[spmem:s2] =	stream.indirect.scatter.add.f32 [tilespmem:s14], [sflag:$0x3], $0x40, s29, s17, $0xb8;
	[tilespmem:$0x12E00] =	vst v63  }
0x56: {  	_ =	swait.ge [sflag:s15], $0x2000  }
0x57: {  	[sflag:s15] =	ssyncset.done $0x0  }
0x58: {  	s30 =	simm.s32 $0x100;
	[sflag:s15] =	ssyncadd.s32 $0xFFFFE000  }
0x59: {  	[tilespmem:s14], [sflag:$0x1] =	stream.indirect.gather [hbm4b:s4+s17], $0x40, s30, s17, $0xb8;
	[tilespmem:$0x12E00] =	vst v63  }
0x5a: {  	_ =	swait.ge [sflag:s20], $0x2000  }
0x5b: {  	[sflag:s20] =	ssyncset.done $0x0  }
0x5c: {  	s31 =	simm.s32 $0x2880;
	[sflag:s20] =	ssyncadd.s32 $0xFFFFE000  }
0x5d: {  	[spmem:s2] =	stream.indirect.scatter.add.f32 [tilespmem:s18], [sflag:$0x3], $0x40, s31, s17, $0xb8;
	[tilespmem:$0x12E00] =	vst v63  }
0x5e: {  	_ =	swait.ge [sflag:s15], $0x2000  }
0x5f: {  	s25 =	simm.s32 $0x100;
	s26 =	simm.s32 $0x800;
	[sflag:s15] =	ssyncset.done $0x0  }
.LBB2_4:
0x60: {  	s28 =	sadd.s32 $0x80, s25  }
0x61: {  	[sflag:s15] =	ssyncadd.s32 $0xFFFFE000;
	s29 =	smov.u32 s26;
	s30 =	sadd.s32 $0x400, s26  }
0x62: {  	[tilespmem:s18], [sflag:$0x2] =	stream.indirect.gather [hbm4b:s4+s17], $0x40, s28, s17, $0xb8;
	[tilespmem:$0x12E00] =	vst v63  }
0x63: {  	p0 =	sne.s32 s26, $0x9800;
	_ =	swait.ge [sflag:s19], $0x2000  }
0x64: {  	[sflag:s19] =	ssyncset.done $0x0  }
0x65: {  	s26 =	sadd.s32 $0x2800, s25;
	[sflag:s19] =	ssyncadd.s32 $0xFFFFE000  }
0x66: {  	[spmem:s2] =	stream.indirect.scatter.add.f32 [tilespmem:s14], [sflag:$0x3], $0x40, s26, s17, $0xb8;
	[tilespmem:$0x12E00] =	vst v63  }
0x67: {  	_ =	swait.ge [sflag:s15], $0x2000  }
0x68: {  	[sflag:s15] =	ssyncset.done $0x0  }
0x69: {  	s26 =	sadd.s32 $0x100, s25;
	[sflag:s15] =	ssyncadd.s32 $0xFFFFE000  }
0x6a: {  	[tilespmem:s14], [sflag:$0x1] =	stream.indirect.gather [hbm4b:s4+s17], $0x40, s26, s17, $0xb8;
	[tilespmem:$0x12E00] =	vst v63  }
0x6b: {  	_ =	swait.ge [sflag:s20], $0x2000  }
.Ltmp1:
0x6c: {  	[sflag:s20] =	ssyncset.done $0x0;
	(pc) =	sbr.rel @p0 .LBB2_4-.Ltmp1, $4  }
0x6d: {  	s25 =	sadd.s32 $0x2880, s25;
	[sflag:s20] =	ssyncadd.s32 $0xFFFFE000  }
0x6e: {  	[spmem:s2] =	stream.indirect.scatter.add.f32 [tilespmem:s18], [sflag:$0x3], $0x40, s25, s17, $0xb8;
	[tilespmem:$0x12E00] =	vst v63  }
0x6f: {  	_ =	swait.ge [sflag:s15], $0x2000  }
0x70: {  	s26 =	smov.u32 s30;
	s25 =	sshra.s32 s29, $0x2;
	[sflag:s15] =	ssyncset.done $0x0  }
0x71: {  	s26 =	sadd.s32 $0x80, s25;
	[sflag:s15] =	ssyncadd.s32 $0xFFFFE000  }
0x72: {  	[tilespmem:s18], [sflag:$0x2] =	stream.indirect.gather [hbm4b:s4+s17], $0x40, s26, s17, $0xb8;
	[tilespmem:$0x12E00] =	vst v63  }
0x73: {  	_ =	swait.ge [sflag:s19], $0x2000  }
0x74: {  	[sflag:s19] =	ssyncset.done $0x0  }
0x75: {  	s28 =	sadd.s32 $0x2800, s25;
	[sflag:s19] =	ssyncadd.s32 $0xFFFFE000  }
0x76: {  	[spmem:s2] =	stream.indirect.scatter.add.f32 [tilespmem:s14], [sflag:$0x3], $0x40, s28, s17, $0xb8;
	[tilespmem:$0x12E00] =	vst v63  }
0x77: {  	_ =	swait.ge [sflag:s15], $0x2000  }
0x78: {  	[sflag:s15] =	ssyncset.done $0x0  }
0x79: {  	s29 =	sadd.s32 $0x100, s25;
	[sflag:s15] =	ssyncadd.s32 $0xFFFFE000  }
0x7a: {  	[tilespmem:s14], [sflag:$0x1] =	stream.indirect.gather [hbm4b:s4+s17], $0x40, s29, s17, $0xb8;
	[tilespmem:$0x12E00] =	vst v63  }
0x7b: {  	_ =	swait.ge [sflag:s20], $0x2000  }
0x7c: {  	[sflag:s20] =	ssyncset.done $0x0  }
0x7d: {  	s30 =	sadd.s32 $0x2880, s25;
	[sflag:s20] =	ssyncadd.s32 $0xFFFFE000  }
0x7e: {  	[spmem:s2] =	stream.indirect.scatter.add.f32 [tilespmem:s18], [sflag:$0x3], $0x40, s30, s17, $0xb8;
	[tilespmem:$0x12E00] =	vst v63  }
0x7f: {  	_ =	swait.ge [sflag:s15], $0x2000  }
0x80: {  	[sflag:s15] =	ssyncset.done $0x0  }
0x81: {  	[sflag:s15] =	ssyncadd.s32 $0xFFFFE000  }
0x82: {  	[tilespmem:s18], [sflag:$0x2] =	stream.indirect.gather [hbm4b:s4+s17], $0x40, s21, s17, $0xb8;
	[tilespmem:$0x12E00] =	vst v63  }
0x83: {  	_ =	swait.ge [sflag:s19], $0x2000  }
0x84: {  	[sflag:s19] =	ssyncset.done $0x0  }
0x85: {  	[sflag:s19] =	ssyncadd.s32 $0xFFFFE000  }
0x86: {  	[spmem:s2] =	stream.indirect.scatter.add.f32 [tilespmem:s14], [sflag:$0x3], $0x40, s22, s17, $0xb8;
	[tilespmem:$0x12E00] =	vst v63  }
0x87: {  	_ =	swait.ge [sflag:s15], $0x2000  }
0x88: {  	[sflag:s15] =	ssyncset.done $0x0  }
0x89: {  	[sflag:s15] =	ssyncadd.s32 $0xFFFFE000  }
0x8a: {  	_ =	swait.ge [sflag:s20], $0x2000  }
0x8b: {  	[sflag:s20] =	ssyncset.done $0x0  }
0x8c: {  	[sflag:s20] =	ssyncadd.s32 $0xFFFFE000  }
0x8d: {  	[spmem:s2] =	stream.indirect.scatter.add.f32 [tilespmem:s18], [sflag:$0x3], $0x40, s23, s17, $0xb8;
	[tilespmem:$0x12E00] =	vst v63  }
0x8e: {  	_ =	swait.ge [sflag:s15], $0x2000  }
0x8f: {  	s3 =	sadd.s32 $0x1, s3;
	[sflag:s15] =	ssyncset.done $0x0  }
0x90: {  	s31 =	sshll.u32 s0, $0x6;
	p0 =	sne.s32 s3, s10;
	[sflag:s15] =	ssyncadd.s32 $0xFFFFE000  }
.Ltmp2:
0x91: {  	s25 =	sor.u32 $0x1C03, s31;
	[bflag:$0x0] =	sbarrier.arrive $0xFFFF;
	(pc) =	sbr.rel @p0 .LBB2_1-.Ltmp2, $4  }
0x92: {  	[hbm:s9], [sflag:s25] =	dma.local [spmem:s24], $0x13C0  }
0x93: {  	_ =	swait.ge [sflag:s15], $0x13C0  }
0x94: {  	[sflag:s15] =	ssyncset.done $0x0  }
0x95: {  	[sflag:s15] =	ssyncadd.s32 $0xFFFFEC40  }
0x96: {  	_ =	sfence.sel $0x180000  }
0x97: {  	[bflag:$0x0] =	sbarrier.arrive $0xFFFF  }
0x98: {  	p0 =	sne.s32 s0, $0x0;
	_ =	strace $0x9000004D  }
0x99: {  	s0 =	sadd.s32 @!p0 $0x100000, s1;
	[bflag:$0x2] =	sbarrier.arrive $0xFFFF  }
0x9a: {  	[sflag:s0] =	ssyncadd.tile.s32 @!p0 $0x1;
	_ =	shalt  }
.Lfunc_end2:
_tile_overlayer_lowered:
.L_overlay_start_2:
0x9b: {  	(tag) =	ssettag $0x2  }
0x9c: {  	s0 =	rddreg [dreg:$0x0];
	s2 =	stileid.u32  }
0x9d: {  	s1 =	rddreg [dreg:$0x1];
	p0 =	sne.s32 s2, $0x0  }
0x9e: {  	s3 =	rddreg [dreg:$0x2];
	[bflag:$0x3] =	sbarrier.arrive $0xFFFF;
	s2 =	simm.s32 @!p0 $0x1C03  }
0x9f: {  	[timem:s3], [sflag:s2] =	dma.local @!p0 [hbm:s0], s1  }
0xa0: {  	s0 =	simm.s32 @!p0 $0x3  }
0xa1: {  	_ =	swait.ge @!p0 [sflag:s0], s1  }
0xa2: {  	s1 =	ssub.s32 @!p0 $0x0, s1;
	[sflag:s0] =	ssyncset.done @!p0 $0x0  }
0xa3: {  	[sflag:s0] =	ssyncadd.s32 @!p0 s1  }
0xa4: {  	[bflag:$0x3] =	sbarrier.arrive $0xFFFF  }
0xa5: {  	_ =	shalt  }

// kernel: kernel.9.cloned.1.call-start
scs
__scs_entry_jumppad:
0x0: {  	(pc) =	sbr.rel $0x88, $3  }
0x1: {  	(tag) =	ssettag $0x0;
	lr =	simm.s32 $0x1  }
0x2: {  	[smem:$0x3F9B] =	sst lr;
	_ =	strace $0xD0000000  }
0x3: {  	_ = 	snop  }
0x4: {  	_ = 	snop  }
0x5: {  	_ = 	snop  }
0x6: {  	_ = 	snop  }
0x7: {  	_ = 	snop  }
__scs_overlays_trampoline_lowered:
0x8: {  	[smem:$0x3FAA] =	sst s0  }
0x9: {  	[smem:$0x3FAB] =	sst s1  }
0xa: {  	[smem:$0x3FAC] =	sst s2  }
0xb: {  	[smem:$0x3FAD] =	sst s3  }
0xc: {  	[smem:$0x3FAE] =	sst s4  }
0xd: {  	[smem:$0x3FAF] =	sst s5  }
0xe: {  	[smem:$0x3FB0] =	sst s6  }
0xf: {  	[smem:$0x3FB1] =	sst s7  }
0x10: {  	[smem:$0x3FB2] =	sst s8  }
0x11: {  	[smem:$0x3FB3] =	sst s9;
	s0 =	simm.s32 @!p0 $0x0  }
0x12: {  	s1 =	sld [smem:$0x3F99];
	s0 =	simm.s32 @p0 $0x1  }
0x13: {  	[smem:$0x3FB4] =	sst s0;
	s0 =	simm.s32 @!p1 $0x0  }
0x14: {  	s2 =	sld [smem:$0x3F98];
	s0 =	simm.s32 @p1 $0x1  }
0x15: {  	[smem:$0x3FB5] =	sst s0;
	s0 =	simm.s32 @!p2 $0x0  }
0x16: {  	s3 =	sld [smem:$0x3FDB];
	s0 =	simm.s32 @p2 $0x1  }
0x17: {  	s4 =	simm.s32 $0x1BF5;
	[smem:$0x3FB7] =	sst s0  }
0x18: {  	s0 =	sld [smem:$0x3F9A];
	_ =	swait.ge [sflag:s4], $0x0  }
0x19: {  	s7 =	sld [smem:$0x3F9B]  }
0x1a: {  	s8 =	sadd.s32 $0xFFFFE003, lr  }
0x1b: {  	s9 =	sadd.s32 $0xFFFFFEF7, lr;
	s5 =	simm.s32 $0xFFFFFFFF;
	p2 =	slt.u32 s8, $0xFFFFF086  }
0x1c: {  	p1 =	slt.u32 s9, $0xF7A;
	s5 =	simm.s32 @!p2 $0x0  }
0x1d: {  	s5 =	simm.s32 @p1 $0x1;
	p0 =	seq.s32 s7, s2  }
0x1e: {  	s7 =	smul.u32 @!p0 $0xF7A, s2;
	p2 =	seq.s32 @!p0 s5, $0x0  }
0x1f: {  	s9 =	smul.u32 $0xF7A, s1;
	s8 =	simm.s32 @!p0 $0x1BF5;
	p2 =	por !p2, p0  }
0x20: {  	[sflag:s8] =	ssyncset.s32 @!p0 $0xFFFFF086;
	s6 =	sadd.s32 @!p0 s3, s7;
	s7 =	simm.s32 @!p0 $0x108  }
0x21: {  	s3 =	sadd.s32 s3, s9;
	s6 =	sadd.s32 @!p0 $0x88, s6;
	s7 =	simm.s32 @p2 $0x1082  }
0x22: {  	[simem:s7], [sflag:s8] =	dma.local @!p0 [hbm:s6], $0xF7A  }
0x23: {  	s9 =	sor.u32 $0xD0000000, s2;
	s6 =	simm.s32 $0x108;
	_ =	swait.ge @!p0 [sflag:s8], $0x0  }
0x24: {  	s3 =	sadd.s32 $0x88, s3;
	s6 =	simm.s32 @!p1 $0x1082;
	[sflag:s4] =	ssyncset.s32 $0xFFFFF086  }
0x25: {  	[simem:s6], [sflag:s4] =	dma.local [hbm:s3], $0xF7A  }
0x26: {  	[smem:$0x3F9B] =	sst s1;
	(tag) =	ssettag s2;
	_ =	strace s9  }
0x27: {  	s1 =	sld [smem:$0x3FAB]  }
0x28: {  	s2 =	sld [smem:$0x3FAC]  }
0x29: {  	s4 =	sld [smem:$0x3FAE]  }
0x2a: {  	p0 =	seq.s32 s5, $0x0;
	s5 =	sld [smem:$0x3FAF]  }
0x2b: {  	s6 =	sld [smem:$0x3FB0]  }
0x2c: {  	s7 =	sld [smem:$0x3FB1]  }
0x2d: {  	s3 =	simm.s32 $0x108;
	s8 =	sld [smem:$0x3FB2]  }
0x2e: {  	s3 =	simm.s32 @!p0 $0x1082;
	s9 =	sld [smem:$0x3FB3]  }
0x2f: {  	lr =	sadd.s32 s0, s3;
	s0 =	sld [smem:$0x3FAA]  }
0x30: {  	s3 =	sld [smem:$0x3FAD]  }
0x31: {  	[smem:$0x3FB6] =	sst s10  }
0x32: {  	s10 =	sld [smem:$0x3FB4];
	_ =	sdelay $0x3  }
0x33: {  	p0 =	seq.s32 s10, $0x1;
	s10 =	sld [smem:$0x3FB6];
	_ =	sdelay $0x3  }
0x34: {  	[smem:$0x3FB6] =	sst s10  }
0x35: {  	s10 =	sld [smem:$0x3FB5];
	_ =	sdelay $0x3  }
0x36: {  	p1 =	seq.s32 s10, $0x1;
	s10 =	sld [smem:$0x3FB6];
	_ =	sdelay $0x3  }
0x37: {  	[smem:$0x3FB6] =	sst s10  }
0x38: {  	s10 =	sld [smem:$0x3FB7]  }
0x39: {  	_ = 	snop;
	(pc) =	sbr.ind lr, $3  }
0x3a: {  	_ = 	snop  }
0x3b: {  	_ = 	snop  }
0x3c: {  	p2 =	seq.s32 s10, $0x1;
	s10 =	sld [smem:$0x3FB6]  }
0x3d: {  	_ =	shalt  }
0x3e: {  	_ =	shalt  }
0x3f: {  	_ =	shalt  }
0x40: {  	_ =	shalt  }
0x41: {  	_ =	shalt  }
0x42: {  	_ =	shalt  }
0x43: {  	_ =	shalt  }
0x44: {  	_ =	shalt  }
0x45: {  	_ =	shalt  }
0x46: {  	_ =	shalt  }
0x47: {  	_ =	shalt  }
0x48: {  	_ =	shalt  }
0x49: {  	_ =	shalt  }
0x4a: {  	_ =	shalt  }
0x4b: {  	_ =	shalt  }
0x4c: {  	_ =	shalt  }
0x4d: {  	_ =	shalt  }
0x4e: {  	_ =	shalt  }
0x4f: {  	_ =	shalt  }
0x50: {  	_ =	shalt  }
0x51: {  	_ =	shalt  }
0x52: {  	_ =	shalt  }
0x53: {  	_ =	shalt  }
0x54: {  	_ =	shalt  }
0x55: {  	_ =	shalt  }
0x56: {  	_ =	shalt  }
0x57: {  	_ =	shalt  }
0x58: {  	_ =	shalt  }
0x59: {  	_ =	shalt  }
0x5a: {  	_ =	shalt  }
0x5b: {  	_ =	shalt  }
0x5c: {  	_ =	shalt  }
0x5d: {  	_ =	shalt  }
0x5e: {  	_ =	shalt  }
0x5f: {  	_ =	shalt  }
0x60: {  	_ =	shalt  }
0x61: {  	_ =	shalt  }
0x62: {  	_ =	shalt  }
0x63: {  	_ =	shalt  }
0x64: {  	_ =	shalt  }
0x65: {  	_ =	shalt  }
0x66: {  	_ =	shalt  }
0x67: {  	_ =	shalt  }
0x68: {  	_ =	shalt  }
0x69: {  	_ =	shalt  }
0x6a: {  	_ =	shalt  }
0x6b: {  	_ =	shalt  }
0x6c: {  	_ =	shalt  }
0x6d: {  	_ =	shalt  }
0x6e: {  	_ =	shalt  }
0x6f: {  	_ =	shalt  }
0x70: {  	_ =	shalt  }
0x71: {  	_ =	shalt  }
0x72: {  	_ =	shalt  }
0x73: {  	_ =	shalt  }
0x74: {  	_ =	shalt  }
0x75: {  	_ =	shalt  }
0x76: {  	_ =	shalt  }
0x77: {  	_ =	shalt  }
0x78: {  	_ =	shalt  }
0x79: {  	_ =	shalt  }
0x7a: {  	_ =	shalt  }
0x7b: {  	_ =	shalt  }
0x7c: {  	_ =	shalt  }
0x7d: {  	_ =	shalt  }
0x7e: {  	_ =	shalt  }
0x7f: {  	_ =	shalt  }
0x80: {  	_ =	shalt  }
0x81: {  	_ =	shalt  }
0x82: {  	_ =	shalt  }
0x83: {  	_ =	shalt  }
0x84: {  	_ =	shalt  }
0x85: {  	_ =	shalt  }
0x86: {  	_ =	shalt  }
0x87: {  	_ =	shalt  }
.Lfunc_end0:
.L_simem_size_0:
called_computation_lowered:
.L_overlay_start_0:
0x88: {  	s2 =	sld [smem:$0x3FD9]  }
0x89: {  	s3 =	sld [smem:$0x3FFE];
	_ =	sdelay $0x1  }
0x8a: {  	s1 =	srdreg.scid  }
0x8b: {  	s0 =	sand.u32 $0x1, s1  }
0x8c: {  	s17 =	sshll.u32 s0, $0xA;
	s2 =	sadd.s32 s3, s2  }
0x8d: {  	s2 =	sadd.s32 s2, s17  }
0x8e: {  	[smem:$0x3FC2] =	sst s2  }
0x8f: {  	_ = 	snop  }
0x90: {  	s2 =	sld [smem:$0x3FD0];
	(tm) =	ssettm $0x1  }
0x91: {  	s18 =	sld [smem:$0x3FFB];
	_ =	sdelay $0x3  }
0x92: {  	_ =	strace s18  }
0x93: {  	s3 =	sld [smem:$0x3FFC];
	_ =	sdelay $0x3  }
0x94: {  	_ =	strace s3  }
0x95: {  	s3 =	sld [smem:$0x3FFD];
	_ =	sdelay $0x3  }
0x96: {  	_ =	strace s3  }
0x97: {  	_ =	strace $0x8FFFFFFF  }
0x98: {  	s19 =	sld [smem:$0x3FDB];
	_ =	sdelay $0x1  }
0x99: {  	s4 =	simm.s32 $_scs_section_size  }
0x9a: {  	s5 =	simm.s32 $_size__tile_overlayer_lowered;
	s6 =	simm.s32 $_tile_overlayer_lowered  }
0x9b: {  	s22 =	simm.s32 $0x1BFF;
	s21 =	sshll.u32 s6, $0x1;
	s3 =	sadd.s32 s4, s19  }
0x9c: {  	s7 =	simm.s32 $0x0;
	s20 =	sshll.u32 s5, $0x1;
	s5 =	sadd.s32 s21, s3  }
0x9d: {  	[timem:s7], [sflag:s22] =	dma.local [hbm:s5], s20  }
0x9e: {  	_ =	swait.ge [sflag:s22], s20  }
0x9f: {  	s4 =	ssub.s32 $0x0, s20;
	[sflag:s22] =	ssyncset.done $0x0  }
0xa0: {  	[sflag:s22] =	ssyncadd.s32 s4;
	_ =	sdelay $0x1  }
0xa1: {  	s23 =	simm.s32 $0x1B8B  }
0xa2: {  	_ =	swait.ge [sflag:s23], $0x1  }
0xa3: {  	[sflag:s23] =	ssyncset.done $0x0  }
0xa4: {  	s25 =	simm.s32 $0x1B8E;
	s24 =	sld [smem:$0x3FFE];
	[sflag:s23] =	ssyncadd.s32 $0xFFFFFFFF  }
0xa5: {  	s26 =	simm.s32 $execute0_lowered;
	[smem:$0x3FD2] =	sst s25  }
0xa6: {  	s5 =	sshll.u32 s26, $0x1;
	_ =	strace $0x80000046;
	[dreg:$0x1] =	wrdreg $0xFFFFFFFF  }
0xa7: {  	s28 =	simm.s32 $_size_execute0_lowered;
	s3 =	sadd.s32 s3, s5;
	[dreg:$0x0] =	wrdreg $0x0  }
0xa8: {  	s5 =	sshll.u32 s28, $0x1;
	[dreg:$0x2] =	wrdreg s3  }
0xa9: {  	[dreg:$0x3] =	wrdreg s5  }
0xaa: {  	[dreg:$0x4] =	wrdreg $0xC0  }
0xab: {  	_ =	task [dreg:s7], $0x5FFFF  }
0xac: {  	[dreg:$0x1] =	wrdreg $0xFFFFFFFF  }
0xad: {  	[dreg:$0x0] =	wrdreg $0x60  }
0xae: {  	[dreg:$0x2] =	wrdreg s24  }
0xaf: {  	[dreg:$0x3] =	wrdreg s2  }
0xb0: {  	[dreg:$0x4] =	wrdreg $0x38000  }
0xb1: {  	[dreg:$0x5] =	wrdreg $0x9  }
0xb2: {  	_ =	task.clear_ibuf [dreg:s7], $0x6FFFF;
	_ =	strace $0x90000046  }
0xb3: {  	s29 =	simm.s32 $0x9;
	_ =	strace $0x80000048  }
0xb4: {  	_ =	swait.ge [sflag:s29], $0x1  }
0xb5: {  	[sflag:s29] =	ssyncadd.s32 $0xFFFFFFFF  }
0xb6: {  	_ =	strace $0x90000048  }
0xb7: {  	_ =	sfence  }
0xb8: {  	s30 =	sld [smem:$0x0];
	_ =	sdelay $0x2  }
0xb9: {  	s31 =	sshll.u32 s1, $0xD;
	s1 =	sshrl.u32 s1, $0x2  }
0xba: {  	s3 =	sand.u32 $0x4000, s31;
	s1 =	sadd.s32 s1, s30  }
0xbb: {  	s0 =	sor.u32 s3, s0;
	s1 =	sshll.u32 s1, $0x11  }
0xbc: {  	s0 =	sor.u32 s1, s0  }
0xbd: {  	s0 =	sadd.s32 $0x8F2B, s0  }
0xbe: {  	[sflag:s0] =	ssyncadd.remote.s32 $0x1  }
0xbf: {  	_ =	sfence.sel $0xFFFF  }
0xc0: {  	[dreg:$0x0] =	wrdreg $0xFFFFFFFF;
	(pc) =	sbr.abs _section_cstart, $3  }
0xc1: {  	[dreg:$0x1] =	wrdreg $0xFFFFFFFF  }
0xc2: {  	_ =	task.clear_ibuf [dreg:s7], $0x2FFFF;
	_ =	strace $0x9FFFFFFF  }
0xc3: {  	(tm) =	ssettm $0x7FFFFFFF  }
tec
execute0_lowered:
.L_overlay_start_1:
0x0: {  	(tag) =	ssettag $0x1  }
0x1: {  	s1 =	srdreg.scid;
	s4 =	rddreg [dreg:$0x0]  }
0x2: {  	s0 =	stileid.u32;
	s7 =	rddreg [dreg:$0x1]  }
0x3: {  	s2 =	rddreg [dreg:$0x2];
	s3 =	simm.s32 $0x0;
	s12 =	simm.s32 $0x3000  }
0x4: {  	s13 =	simm.s32 $0x1;
	s14 =	simm.s32 $0x80;
	s8 =	smul.u32 $0x9E00, s0  }
0x5: {  	s5 =	sand.u32 $0x1, s1;
	s29 =	sshll.u32 s0, $0x1;
	s10 =	smul.u32 $0x2780, s0  }
0x6: {  	s15 =	simm.s32 $0x2800;
	s1 =	sor.u32 s5, s29;
	s9 =	smul.u32 $0x27800, s5  }
0x7: {  	[smem:$0x7FF] =	sst s3;
	s5 =	ssub.s32 $0x2, s5;
	s6 =	smul.u32 $0x500, s1  }
0x8: {  	s1 =	rddreg [dreg:$0x3];
	_ =	strace $0x80000047;
	s30 =	sshrl.u32 s8, $0x2  }
0x9: {  	s31 =	sshrl.u32 s5, $0x1;
	s16 =	sadd.s32 s10, s2;
	s9 =	sadd.s32 s10, s9  }
0xa: {  	s8 =	ssub.s32 s5, s31;
	s16 =	sshrl.u32 s16, $0x3;
	s6 =	sadd.s32 s6, s4  }
0xb: {  	s4 =	sadd.s32 s30, s2;
	s9 =	sshrl.u32 s9, $0x3;
	s8 =	smax.u32 s8, $0x1  }
0xc: {  	s5 =	sadd.s32 $0x2000, s4;
	s6 =	sadd.s32 $0x2800, s6;
	s7 =	sadd.s32 s7, s9  }
0xd: {  	v0 =	vimm.f32 $1.000000000e+00;
	v1 =	vimm.f32 $0.0e+00;
	s9 =	sadd.s32 $0x800, s4;
	s10 =	sadd.s32 $0x1000, s4;
	s11 =	sadd.s32 $0x1800, s4  }
.LBB2_1:
0xe: {  	s18 =	simm.s32 $0x2820  }
0xf: {  	[tilespmem:s18+$0xFFFFFFE0] =	vst v0  }
0x10: {  	[tilespmem:s18+$0x10] =	vst v0  }
0x11: {  	s19 =	simm.s32 $0x0;
	[tilespmem:s18+$0x0] =	vst v0  }
.LBB2_2:
0x12: {  	s19 =	sadd.s32 $0x4, s19  }
0x13: {  	[tilespmem:s18+$0xFFFFFFF0] =	vst v0;
	s18 =	sadd.s32 $0x40, s18;
	s17 =	simm.s32 $0x3020;
	p0 =	slt.u32 s19, $0x7C  }
.Ltmp0:
0x14: {  	[tilespmem:s18+$0xFFFFFFE0] =	vst v0;
	(pc) =	sbr.rel @p0 .LBB2_2-.Ltmp0, $3  }
0x15: {  	_ =	sdelay $0x1  }
0x16: {  	[tilespmem:s18+$0x10] =	vst v0  }
0x17: {  	[tilespmem:s18+$0x0] =	vst v0  }
0x18: {  	[tilespmem:s18+$0xFFFFFFF0] =	vst v0  }
0x19: {  	[tilespmem:s17+$0xFFFFFFE0] =	vst v1  }
0x1a: {  	[tilespmem:s17+$0x10] =	vst v1  }
0x1b: {  	s18 =	simm.s32 $0x0;
	[tilespmem:s17+$0x0] =	vst v1  }
.LBB2_4:
0x1c: {  	s18 =	sadd.s32 $0x4, s18  }
0x1d: {  	[tilespmem:s17+$0xFFFFFFF0] =	vst v1;
	s17 =	sadd.s32 $0x40, s17;
	p0 =	slt.u32 s18, $0x7C  }
.Ltmp1:
0x1e: {  	[tilespmem:s17+$0xFFFFFFE0] =	vst v1;
	(pc) =	sbr.rel @p0 .LBB2_4-.Ltmp1, $3  }
0x1f: {  	_ =	sdelay $0x1  }
0x20: {  	[tilespmem:s17+$0x10] =	vst v1  }
0x21: {  	[tilespmem:s17+$0x0] =	vst v1  }
0x22: {  	[tilespmem:s17+$0xFFFFFFF0] =	vst v1  }
0x23: {  	[spmem:s4] =	stream.linear.scatter [tilespmem:s12], [sflag:$0x1], $0x800, $0x38;
	[tilespmem:$0x5F80] =	vst v63  }
0x24: {  	_ =	swait.ge [sflag:s13], $0x800  }
0x25: {  	[sflag:s13] =	ssyncset.done $0x0  }
0x26: {  	[sflag:s13] =	ssyncadd.s32 $0xFFFFF800  }
0x27: {  	[spmem:s9] =	stream.linear.scatter [tilespmem:s12], [sflag:$0x1], $0x800, $0x38;
	[tilespmem:$0x5F80] =	vst v63  }
0x28: {  	_ =	swait.ge [sflag:s13], $0x800  }
0x29: {  	[sflag:s13] =	ssyncset.done $0x0  }
0x2a: {  	[sflag:s13] =	ssyncadd.s32 $0xFFFFF800  }
0x2b: {  	[spmem:s10] =	stream.linear.scatter [tilespmem:s12], [sflag:$0x1], $0x800, $0x38;
	[tilespmem:$0x5F80] =	vst v63  }
0x2c: {  	_ =	swait.ge [sflag:s13], $0x800  }
0x2d: {  	[sflag:s13] =	ssyncset.done $0x0  }
0x2e: {  	[sflag:s13] =	ssyncadd.s32 $0xFFFFF800  }
0x2f: {  	[spmem:s11] =	stream.linear.scatter [tilespmem:s12], [sflag:$0x1], $0x800, $0x38;
	[tilespmem:$0x5F80] =	vst v63  }
0x30: {  	_ =	swait.ge [sflag:s13], $0x800  }
0x31: {  	[sflag:s13] =	ssyncset.done $0x0  }
0x32: {  	[sflag:s13] =	ssyncadd.s32 $0xFFFFF800  }
0x33: {  	[spmem:s5] =	stream.linear.scatter [tilespmem:s12], [sflag:$0x1], $0x780, $0x38;
	[tilespmem:$0x5F80] =	vst v63  }
0x34: {  	_ =	swait.ge [sflag:s13], $0x780  }
0x35: {  	[sflag:s13] =	ssyncset.done $0x0  }
0x36: {  	s30 =	simm.s32 $0x0;
	[sflag:s13] =	ssyncadd.s32 $0xFFFFF880  }
0x37: {  	[tilespmem:s30], [sflag:$0x1] =	stream.linear.gather [hbm4b:s6+s30], $0x2800, $0x38;
	[tilespmem:$0x5F80] =	vst v63  }
0x38: {  	_ =	swait.ge [sflag:s13], $0x2800  }
0x39: {  	[sflag:s13] =	ssyncset.done $0x0  }
0x3a: {  	[sflag:s13] =	ssyncadd.s32 $0xFFFFD800  }
0x3b: {  	s31 =	simm.s32 $0x0;
	[bflag:$0x0] =	sbarrier.arrive $0xFFFF  }
0x3c: {  	[spmem:s2] =	stream.indirect.scatter.add.f32 [tilespmem:s15], [sflag:$0x1], $0x10, s31, s14, $0xb8;
	[tilespmem:$0x5F80] =	vst v63  }
0x3d: {  	_ =	swait.ge [sflag:s13], $0x800  }
0x3e: {  	s17 =	simm.s32 $0x200;
	[sflag:s13] =	ssyncset.done $0x0  }
.LBB2_6:
0x3f: {  	s18 =	sshra.s32 s17, $0x2;
	[sflag:s13] =	ssyncadd.s32 $0xFFFFF800;
	p0 =	sne.s32 s17, $0x9E00  }
0x40: {  	[spmem:s2] =	stream.indirect.scatter.add.f32 [tilespmem:s15], [sflag:$0x1], $0x10, s18, s14, $0xb8;
	[tilespmem:$0x5F80] =	vst v63  }
.Ltmp2:
0x41: {  	_ = 	snop;
	(pc) =	sbr.rel @p0 .LBB2_6-.Ltmp2, $4  }
0x42: {  	_ = 	snop  }
0x43: {  	s17 =	sadd.s32 $0x200, s17  }
0x44: {  	_ =	swait.ge [sflag:s13], $0x800  }
0x45: {  	[sflag:s13] =	ssyncset.done $0x0  }
0x46: {  	s3 =	sadd.s32 $0x1, s3  }
0x47: {  	[sflag:s13] =	ssyncadd.s32 $0xFFFFF800;
	s17 =	sshll.u32 s0, $0x6;
	p0 =	sne.s32 s3, s8  }
.Ltmp3:
0x48: {  	[bflag:$0x0] =	sbarrier.arrive $0xFFFF;
	s17 =	sor.u32 $0x1C01, s17;
	(pc) =	sbr.rel @p0 .LBB2_1-.Ltmp3, $4  }
0x49: {  	[hbm:s7], [sflag:s17] =	dma.local [spmem:s16], $0x4F0  }
0x4a: {  	_ =	swait.ge [sflag:s13], $0x4F0  }
0x4b: {  	[sflag:s13] =	ssyncset.done $0x0  }
0x4c: {  	[sflag:s13] =	ssyncadd.s32 $0xFFFFFB10  }
0x4d: {  	_ =	sfence.sel $0x180000  }
0x4e: {  	[bflag:$0x0] =	sbarrier.arrive $0xFFFF  }
0x4f: {  	p0 =	sne.s32 s0, $0x0;
	_ =	strace $0x90000047  }
0x50: {  	s0 =	sadd.s32 @!p0 $0x100000, s1;
	[bflag:$0x2] =	sbarrier.arrive $0xFFFF  }
0x51: {  	[sflag:s0] =	ssyncadd.tile.s32 @!p0 $0x1;
	_ =	shalt  }
.Lfunc_end2:
_tile_overlayer_lowered:
.L_overlay_start_2:
0x52: {  	(tag) =	ssettag $0x2  }
0x53: {  	s0 =	rddreg [dreg:$0x0];
	s2 =	stileid.u32  }
0x54: {  	s1 =	rddreg [dreg:$0x1];
	p0 =	sne.s32 s2, $0x0  }
0x55: {  	s3 =	rddreg [dreg:$0x2];
	[bflag:$0x3] =	sbarrier.arrive $0xFFFF;
	s2 =	simm.s32 @!p0 $0x1C01  }
0x56: {  	[timem:s3], [sflag:s2] =	dma.local @!p0 [hbm:s0], s1  }
0x57: {  	s0 =	simm.s32 @!p0 $0x1  }
0x58: {  	_ =	swait.ge @!p0 [sflag:s0], s1  }
0x59: {  	s1 =	ssub.s32 @!p0 $0x0, s1;
	[sflag:s0] =	ssyncset.done @!p0 $0x0  }
0x5a: {  	[sflag:s0] =	ssyncadd.s32 @!p0 s1  }
0x5b: {  	[bflag:$0x3] =	sbarrier.arrive $0xFFFF  }
0x5c: {  	_ =	shalt  }

</sc_bundles>
